<compile_context>
chip_gen: v7x
topology: tpu7x:2x2x1
jax: 0.10.2.dev20260603
libtpu: 0.0.44.dev20260713+nightly
codegen_flags: <defaults>
</compile_context>

<pallas_src>
import functools
import math

import jax
import jax.numpy as jnp
from jax import lax
from jax.experimental import pallas as pl
from jax.experimental.pallas import tpu as pltpu
from jax.experimental.pallas import tpu_sc as plsc

D = 128
SCALE = math.sqrt(float(D))


@functools.lru_cache()
def _make_gather(b_total):
    info = plsc.get_sparse_core_info()
    nc, ns = info.num_cores, info.num_subcores
    nw = nc * ns
    assert b_total % nw == 0
    b_per_w = b_total // nw
    chunk = 160
    nbuf = 5
    assert b_per_w % (nbuf * chunk) == 0
    n_chunks = b_per_w // chunk
    n_groups = n_chunks // nbuf
    mesh = plsc.VectorSubcoreMesh(core_axis_name="c", subcore_axis_name="s")

    @functools.partial(
        pl.kernel,
        mesh=mesh,
        out_type=jax.ShapeDtypeStruct((b_total, D), jnp.float32),
        scratch_types=[
            pltpu.VMEM((b_per_w,), jnp.int32),
        ] + [pltpu.VMEM((chunk, D), jnp.float32)] * nbuf
          + [pltpu.SemaphoreType.DMA] * (2 * nbuf),
    )
    def gather_kernel(table_hbm, idx_hbm, out_hbm, idx_v, *rest):
        rows = rest[:nbuf]
        gsem = rest[nbuf:2 * nbuf]
        ssem = rest[2 * nbuf:]
        wid = lax.axis_index("s") * nc + lax.axis_index("c")
        base = wid * b_per_w
        pltpu.sync_copy(idx_hbm.at[pl.ds(base, b_per_w)], idx_v)

        def gstart(i, b):
            pltpu.async_copy(
                table_hbm.at[idx_v.at[pl.ds(i * chunk, chunk)]], rows[b],
                gsem[b])

        def gwait(i, b):
            pltpu.make_async_copy(
                table_hbm.at[idx_v.at[pl.ds(i * chunk, chunk)]], rows[b],
                gsem[b]).wait()

        def sstart(i, b):
            pltpu.async_copy(
                rows[b], out_hbm.at[pl.ds(base + i * chunk, chunk)], ssem[b])

        def swait(i, b):
            pltpu.make_async_copy(
                rows[b], out_hbm.at[pl.ds(base + i * chunk, chunk)],
                ssem[b]).wait()

        for b in range(nbuf - 1):
            gstart(b, b)

        def body(g, carry):
            for b in range(nbuf):
                i = g * nbuf + b
                pb = (b - 1) % nbuf
                gwait(i, b)
                buf = rows[b]

                @plsc.parallel_loop(0, chunk, unroll=2)
                def _(r):
                    for c in range(D // 16):
                        sl = pl.ds(c * 16, 16)
                        buf[r, sl] = buf[r, sl] * SCALE

                sstart(i, b)

                @pl.when(i > 0)
                def _():
                    swait(i - 1, pb)

                @pl.when(i + nbuf - 1 < n_chunks)
                def _():
                    gstart(i + nbuf - 1, pb)
            return carry

        lax.fori_loop(0, n_groups, body, 0)
        swait(n_chunks - 1, nbuf - 1)

    return gather_kernel


def kernel(x, table):
    b0, b1 = x.shape
    idx = x.reshape(b0 * b1).astype(jnp.int32)
    out = _make_gather(b0 * b1)(table, idx)
    return out.reshape(b0, b1, D)

# --- scband reference (transcript-rebuilt; emitter-appended) ---
"""Pipeline reference for scband-embedding-16819091931445 (READ-ONLY COPY).

The authoritative reference and input builder live on the scoring server;
editing this copy changes nothing except your own understanding.
"""

import jax, jax.numpy as jnp
import numpy as np
import math

VOCAB = 100267
EMBED_DIM = 128

def setup_inputs(seed: int = 0) -> dict:
    key = jax.random.key(seed)
    k1, k2 = jax.random.split(key)
    x = jax.random.randint(k1, (4096, 200), 0, VOCAB, dtype=jnp.int64 if jax.config.jax_enable_x64 else jnp.int32)
    table = jax.random.normal(k2, (VOCAB, EMBED_DIM), dtype=jnp.float32)
    return {"x": x, "table": table}

def reference(x, table):
    # nn.Embedding lookup followed by scaling by sqrt(embed_dim)
    out = jnp.take(table, x, axis=0)
    return out * math.sqrt(EMBED_DIM)

if __name__ == "__main__":
    import jax
    _d = setup_inputs()
    print(jax.jit(kernel)(*tuple(_d.values())))

</pallas_src>

<mosaic_0001>
#map = affine_map<(d0, d1) -> (0, 0)>
#map1 = affine_map<(d0, d1) -> (0)>
module attributes {stable_mosaic.version = 14 : i64} {
  func.func @gather_kernel(%arg0: i32, %arg1: i32, %arg2: memref<100267x128xf32, #tpu.memory_space<hbm>>, %arg3: memref<819200xi32, #tpu.memory_space<hbm>>, %arg4: memref<819200x128xf32, #tpu.memory_space<hbm>>, %arg5: memref<25600xi32, #tpu.memory_space<vmem>>, %arg6: memref<160x128xf32, #tpu.memory_space<vmem>>, %arg7: memref<160x128xf32, #tpu.memory_space<vmem>>, %arg8: memref<160x128xf32, #tpu.memory_space<vmem>>, %arg9: memref<160x128xf32, #tpu.memory_space<vmem>>, %arg10: memref<160x128xf32, #tpu.memory_space<vmem>>, %arg11: memref<!tpu.dma_semaphore, #tpu.memory_space<semaphore_mem>>, %arg12: memref<!tpu.dma_semaphore, #tpu.memory_space<semaphore_mem>>, %arg13: memref<!tpu.dma_semaphore, #tpu.memory_space<semaphore_mem>>, %arg14: memref<!tpu.dma_semaphore, #tpu.memory_space<semaphore_mem>>, %arg15: memref<!tpu.dma_semaphore, #tpu.memory_space<semaphore_mem>>, %arg16: memref<!tpu.dma_semaphore, #tpu.memory_space<semaphore_mem>>, %arg17: memref<!tpu.dma_semaphore, #tpu.memory_space<semaphore_mem>>, %arg18: memref<!tpu.dma_semaphore, #tpu.memory_space<semaphore_mem>>, %arg19: memref<!tpu.dma_semaphore, #tpu.memory_space<semaphore_mem>>, %arg20: memref<!tpu.dma_semaphore, #tpu.memory_space<semaphore_mem>>) attributes {dimension_semantics = [#tpu.dimension_semantics<core_parallel>, #tpu.dimension_semantics<subcore_parallel>], iteration_bounds = array<i64: 2, 16>, scalar_prefetch = 0 : i64, scratch_operands = 16 : i64, tpu.core_type = #tpu.core_type<sc_vector_subcore>, window_params = [{transform_indices = #map}, {transform_indices = #map1}, {transform_indices = #map}]} {
    %mul3A = arith.constant 2 : i32
    %mul3A_0 = arith.muli %arg1, %mul3A : i32
    %add3A = arith.addi %mul3A_0, %arg0 : i32
    %mul3A_1 = arith.constant 25600 : i32
    %mul3A_2 = arith.muli %add3A, %mul3A_1 : i32
    "tpu.region"() ({
      %run_scoped3A = tpu.sem_alloc : memref<!tpu.dma_semaphore, #tpu.memory_space<semaphore_mem>>
      %dma_start3A_32 = tpu.memref_slice %arg3[%mul3A_2] : memref<819200xi32, #tpu.memory_space<hbm>> -> memref<25600xi32, #tpu.memory_space<hbm>>
      %dma_start3A_33 = tpu.memref_slice %arg3[%mul3A_2] : memref<819200xi32, #tpu.memory_space<hbm>> -> memref<25600xi32, #tpu.memory_space<hbm>>
      tpu.enqueue_dma source(%dma_start3A_33 : memref<25600xi32, #tpu.memory_space<hbm>>) target(%arg5 : memref<25600xi32, #tpu.memory_space<vmem>>) target_semaphore(%run_scoped3A : memref<!tpu.dma_semaphore, #tpu.memory_space<semaphore_mem>>)
      %dma_wait3A_34 = tpu.memref_slice %arg3[%mul3A_2] : memref<819200xi32, #tpu.memory_space<hbm>> -> memref<25600xi32, #tpu.memory_space<hbm>>
      %dma_wait3A_35 = tpu.memref_slice %arg3[%mul3A_2] : memref<819200xi32, #tpu.memory_space<hbm>> -> memref<25600xi32, #tpu.memory_space<hbm>>
      tpu.wait_dma2 semaphore(%run_scoped3A : memref<!tpu.dma_semaphore, #tpu.memory_space<semaphore_mem>>) src(%dma_wait3A_35 : memref<25600xi32, #tpu.memory_space<hbm>>) dst(%arg5 : memref<25600xi32, #tpu.memory_space<vmem>>)
      tpu.yield
    }) : () -> ()
    %dma_start3A = arith.constant 0 : i32
    %dma_start3A_3 = tpu.memref_slice %arg5[%dma_start3A] : memref<25600xi32, #tpu.memory_space<vmem>> -> memref<160xi32, #tpu.memory_space<vmem>>
    %dma_start3A_4 = arith.constant 0 : i32
    %dma_start3A_5 = arith.constant 0 : i32
    %dma_start3A_6 = tpu.memref_slice %arg2[%dma_start3A_4, %dma_start3A_5] : memref<100267x128xf32, #tpu.memory_space<hbm>> -> memref<100267x128xf32, #tpu.memory_space<hbm>>
    tpu.enqueue_indirect_dma source(%dma_start3A_6 : memref<100267x128xf32, #tpu.memory_space<hbm>>) target(%arg6 : memref<160x128xf32, #tpu.memory_space<vmem>>) offsets(%dma_start3A_3 : memref<160xi32, #tpu.memory_space<vmem>>) semaphore(%arg11 : memref<!tpu.dma_semaphore, #tpu.memory_space<semaphore_mem>>)
    %dma_start3A_7 = arith.constant 160 : i32
    %dma_start3A_8 = tpu.memref_slice %arg5[%dma_start3A_7] : memref<25600xi32, #tpu.memory_space<vmem>> -> memref<160xi32, #tpu.memory_space<vmem>>
    %dma_start3A_9 = arith.constant 0 : i32
    %dma_start3A_10 = arith.constant 0 : i32
    %dma_start3A_11 = tpu.memref_slice %arg2[%dma_start3A_9, %dma_start3A_10] : memref<100267x128xf32, #tpu.memory_space<hbm>> -> memref<100267x128xf32, #tpu.memory_space<hbm>>
    tpu.enqueue_indirect_dma source(%dma_start3A_11 : memref<100267x128xf32, #tpu.memory_space<hbm>>) target(%arg7 : memref<160x128xf32, #tpu.memory_space<vmem>>) offsets(%dma_start3A_8 : memref<160xi32, #tpu.memory_space<vmem>>) semaphore(%arg12 : memref<!tpu.dma_semaphore, #tpu.memory_space<semaphore_mem>>)
    %dma_start3A_12 = arith.constant 320 : i32
    %dma_start3A_13 = tpu.memref_slice %arg5[%dma_start3A_12] : memref<25600xi32, #tpu.memory_space<vmem>> -> memref<160xi32, #tpu.memory_space<vmem>>
    %dma_start3A_14 = arith.constant 0 : i32
    %dma_start3A_15 = arith.constant 0 : i32
    %dma_start3A_16 = tpu.memref_slice %arg2[%dma_start3A_14, %dma_start3A_15] : memref<100267x128xf32, #tpu.memory_space<hbm>> -> memref<100267x128xf32, #tpu.memory_space<hbm>>
    tpu.enqueue_indirect_dma source(%dma_start3A_16 : memref<100267x128xf32, #tpu.memory_space<hbm>>) target(%arg8 : memref<160x128xf32, #tpu.memory_space<vmem>>) offsets(%dma_start3A_13 : memref<160xi32, #tpu.memory_space<vmem>>) semaphore(%arg13 : memref<!tpu.dma_semaphore, #tpu.memory_space<semaphore_mem>>)
    %dma_start3A_17 = arith.constant 480 : i32
    %dma_start3A_18 = tpu.memref_slice %arg5[%dma_start3A_17] : memref<25600xi32, #tpu.memory_space<vmem>> -> memref<160xi32, #tpu.memory_space<vmem>>
    %dma_start3A_19 = arith.constant 0 : i32
    %dma_start3A_20 = arith.constant 0 : i32
    %dma_start3A_21 = tpu.memref_slice %arg2[%dma_start3A_19, %dma_start3A_20] : memref<100267x128xf32, #tpu.memory_space<hbm>> -> memref<100267x128xf32, #tpu.memory_space<hbm>>
    tpu.enqueue_indirect_dma source(%dma_start3A_21 : memref<100267x128xf32, #tpu.memory_space<hbm>>) target(%arg9 : memref<160x128xf32, #tpu.memory_space<vmem>>) offsets(%dma_start3A_18 : memref<160xi32, #tpu.memory_space<vmem>>) semaphore(%arg14 : memref<!tpu.dma_semaphore, #tpu.memory_space<semaphore_mem>>)
    %scan3A = arith.constant 0 : i32
    %scan3A_22 = arith.constant 0 : i32
    %scan3A_23 = arith.constant 32 : i32
    %scan3A_24 = arith.addi %scan3A_22, %scan3A_23 : i32
    %scan3A_25 = arith.constant 1 : i32
    scf.for %scan3A_32 = %scan3A_22 to %scan3A_24 step %scan3A_25  : i32 {
      %mul3A_33 = arith.constant 5 : i32
      %mul3A_34 = arith.muli %scan3A_32, %mul3A_33 : i32
      %add3A_35 = arith.constant 0 : i32
      %add3A_36 = arith.addi %mul3A_34, %add3A_35 : i32
      %mul3A_37 = arith.constant 160 : i32
      %mul3A_38 = arith.muli %add3A_36, %mul3A_37 : i32
      %dma_wait3A_39 = tpu.memref_slice %arg5[%mul3A_38] : memref<25600xi32, #tpu.memory_space<vmem>> -> memref<160xi32, #tpu.memory_space<vmem>>
      %dma_wait3A_40 = arith.constant 0 : i32
      %dma_wait3A_41 = arith.constant 0 : i32
      %dma_wait3A_42 = tpu.memref_slice %arg2[%dma_wait3A_40, %dma_wait3A_41] : memref<100267x128xf32, #tpu.memory_space<hbm>> -> memref<100267x128xf32, #tpu.memory_space<hbm>>
      tpu.wait_indirect_dma semaphore(%arg11 : memref<!tpu.dma_semaphore, #tpu.memory_space<semaphore_mem>>) src(%dma_wait3A_42 : memref<100267x128xf32, #tpu.memory_space<hbm>>) dst(%arg6 : memref<160x128xf32, #tpu.memory_space<vmem>>)
      %parallel_loop3A = arith.constant 0 : i32
      %parallel_loop3A_43 = arith.constant 160 : i32
      %parallel_loop3A_44 = arith.constant 1 : i32
      scf.for %parallel_loop3A_197 = %parallel_loop3A to %parallel_loop3A_43 step %parallel_loop3A_44  : i32 {
        %parallel_loop3A_198 = arith.index_cast %parallel_loop3A_197 : i32 to index
        %parallel_loop3A_199 = arith.constant 0 : index
        %parallel_loop3A_200 = tpu.vector_load %arg6[%parallel_loop3A_198, %parallel_loop3A_199] {strides = array<i32>} : memref<160x128xf32, #tpu.memory_space<vmem>>, vector<1x16xf32>,
        %parallel_loop3A_201 = vector.shape_cast %parallel_loop3A_200 : vector<1x16xf32> to vector<16xf32>
        %parallel_loop3A_202 = arith.constant 11.3137083 : f32
        %parallel_loop3A_203 = vector.broadcast %parallel_loop3A_202 : f32 to vector<16xf32>
        %parallel_loop3A_204 = arith.mulf %parallel_loop3A_201, %parallel_loop3A_203 : vector<16xf32>
        %parallel_loop3A_205 = arith.index_cast %parallel_loop3A_197 : i32 to index
        %parallel_loop3A_206 = arith.constant 0 : index
        %parallel_loop3A_207 = tpu.vector_load %arg6[%parallel_loop3A_205, %parallel_loop3A_206] {strides = array<i32>} : memref<160x128xf32, #tpu.memory_space<vmem>>, vector<1x16xf32>,
        %parallel_loop3A_208 = vector.shape_cast %parallel_loop3A_207 : vector<1x16xf32> to vector<16xf32>
        %parallel_loop3A_209 = vector.shape_cast %parallel_loop3A_204 : vector<16xf32> to vector<1x16xf32>
        tpu.vector_store %arg6[%parallel_loop3A_205, %parallel_loop3A_206], %parallel_loop3A_209 {strides = array<i32>} : memref<160x128xf32, #tpu.memory_space<vmem>>, vector<1x16xf32>,
        %parallel_loop3A_210 = arith.index_cast %parallel_loop3A_197 : i32 to index
        %parallel_loop3A_211 = arith.constant 16 : index
        %parallel_loop3A_212 = tpu.vector_load %arg6[%parallel_loop3A_210, %parallel_loop3A_211] {strides = array<i32>} : memref<160x128xf32, #tpu.memory_space<vmem>>, vector<1x16xf32>,
        %parallel_loop3A_213 = vector.shape_cast %parallel_loop3A_212 : vector<1x16xf32> to vector<16xf32>
        %parallel_loop3A_214 = arith.constant 11.3137083 : f32
        %parallel_loop3A_215 = vector.broadcast %parallel_loop3A_214 : f32 to vector<16xf32>
        %parallel_loop3A_216 = arith.mulf %parallel_loop3A_213, %parallel_loop3A_215 : vector<16xf32>
        %parallel_loop3A_217 = arith.index_cast %parallel_loop3A_197 : i32 to index
        %parallel_loop3A_218 = arith.constant 16 : index
        %parallel_loop3A_219 = tpu.vector_load %arg6[%parallel_loop3A_217, %parallel_loop3A_218] {strides = array<i32>} : memref<160x128xf32, #tpu.memory_space<vmem>>, vector<1x16xf32>,
        %parallel_loop3A_220 = vector.shape_cast %parallel_loop3A_219 : vector<1x16xf32> to vector<16xf32>
        %parallel_loop3A_221 = vector.shape_cast %parallel_loop3A_216 : vector<16xf32> to vector<1x16xf32>
        tpu.vector_store %arg6[%parallel_loop3A_217, %parallel_loop3A_218], %parallel_loop3A_221 {strides = array<i32>} : memref<160x128xf32, #tpu.memory_space<vmem>>, vector<1x16xf32>,
        %parallel_loop3A_222 = arith.index_cast %parallel_loop3A_197 : i32 to index
        %parallel_loop3A_223 = arith.constant 32 : index
        %parallel_loop3A_224 = tpu.vector_load %arg6[%parallel_loop3A_222, %parallel_loop3A_223] {strides = array<i32>} : memref<160x128xf32, #tpu.memory_space<vmem>>, vector<1x16xf32>,
        %parallel_loop3A_225 = vector.shape_cast %parallel_loop3A_224 : vector<1x16xf32> to vector<16xf32>
        %parallel_loop3A_226 = arith.constant 11.3137083 : f32
        %parallel_loop3A_227 = vector.broadcast %parallel_loop3A_226 : f32 to vector<16xf32>
        %parallel_loop3A_228 = arith.mulf %parallel_loop3A_225, %parallel_loop3A_227 : vector<16xf32>
        %parallel_loop3A_229 = arith.index_cast %parallel_loop3A_197 : i32 to index
        %parallel_loop3A_230 = arith.constant 32 : index
        %parallel_loop3A_231 = tpu.vector_load %arg6[%parallel_loop3A_229, %parallel_loop3A_230] {strides = array<i32>} : memref<160x128xf32, #tpu.memory_space<vmem>>, vector<1x16xf32>,
        %parallel_loop3A_232 = vector.shape_cast %parallel_loop3A_231 : vector<1x16xf32> to vector<16xf32>
        %parallel_loop3A_233 = vector.shape_cast %parallel_loop3A_228 : vector<16xf32> to vector<1x16xf32>
        tpu.vector_store %arg6[%parallel_loop3A_229, %parallel_loop3A_230], %parallel_loop3A_233 {strides = array<i32>} : memref<160x128xf32, #tpu.memory_space<vmem>>, vector<1x16xf32>,
        %parallel_loop3A_234 = arith.index_cast %parallel_loop3A_197 : i32 to index
        %parallel_loop3A_235 = arith.constant 48 : index
        %parallel_loop3A_236 = tpu.vector_load %arg6[%parallel_loop3A_234, %parallel_loop3A_235] {strides = array<i32>} : memref<160x128xf32, #tpu.memory_space<vmem>>, vector<1x16xf32>,
        %parallel_loop3A_237 = vector.shape_cast %parallel_loop3A_236 : vector<1x16xf32> to vector<16xf32>
        %parallel_loop3A_238 = arith.constant 11.3137083 : f32
        %parallel_loop3A_239 = vector.broadcast %parallel_loop3A_238 : f32 to vector<16xf32>
        %parallel_loop3A_240 = arith.mulf %parallel_loop3A_237, %parallel_loop3A_239 : vector<16xf32>
        %parallel_loop3A_241 = arith.index_cast %parallel_loop3A_197 : i32 to index
        %parallel_loop3A_242 = arith.constant 48 : index
        %parallel_loop3A_243 = tpu.vector_load %arg6[%parallel_loop3A_241, %parallel_loop3A_242] {strides = array<i32>} : memref<160x128xf32, #tpu.memory_space<vmem>>, vector<1x16xf32>,
        %parallel_loop3A_244 = vector.shape_cast %parallel_loop3A_243 : vector<1x16xf32> to vector<16xf32>
        %parallel_loop3A_245 = vector.shape_cast %parallel_loop3A_240 : vector<16xf32> to vector<1x16xf32>
        tpu.vector_store %arg6[%parallel_loop3A_241, %parallel_loop3A_242], %parallel_loop3A_245 {strides = array<i32>} : memref<160x128xf32, #tpu.memory_space<vmem>>, vector<1x16xf32>,
        %parallel_loop3A_246 = arith.index_cast %parallel_loop3A_197 : i32 to index
        %parallel_loop3A_247 = arith.constant 64 : index
        %parallel_loop3A_248 = tpu.vector_load %arg6[%parallel_loop3A_246, %parallel_loop3A_247] {strides = array<i32>} : memref<160x128xf32, #tpu.memory_space<vmem>>, vector<1x16xf32>,
        %parallel_loop3A_249 = vector.shape_cast %parallel_loop3A_248 : vector<1x16xf32> to vector<16xf32>
        %parallel_loop3A_250 = arith.constant 11.3137083 : f32
        %parallel_loop3A_251 = vector.broadcast %parallel_loop3A_250 : f32 to vector<16xf32>
        %parallel_loop3A_252 = arith.mulf %parallel_loop3A_249, %parallel_loop3A_251 : vector<16xf32>
        %parallel_loop3A_253 = arith.index_cast %parallel_loop3A_197 : i32 to index
        %parallel_loop3A_254 = arith.constant 64 : index
        %parallel_loop3A_255 = tpu.vector_load %arg6[%parallel_loop3A_253, %parallel_loop3A_254] {strides = array<i32>} : memref<160x128xf32, #tpu.memory_space<vmem>>, vector<1x16xf32>,
        %parallel_loop3A_256 = vector.shape_cast %parallel_loop3A_255 : vector<1x16xf32> to vector<16xf32>
        %parallel_loop3A_257 = vector.shape_cast %parallel_loop3A_252 : vector<16xf32> to vector<1x16xf32>
        tpu.vector_store %arg6[%parallel_loop3A_253, %parallel_loop3A_254], %parallel_loop3A_257 {strides = array<i32>} : memref<160x128xf32, #tpu.memory_space<vmem>>, vector<1x16xf32>,
        %parallel_loop3A_258 = arith.index_cast %parallel_loop3A_197 : i32 to index
        %parallel_loop3A_259 = arith.constant 80 : index
        %parallel_loop3A_260 = tpu.vector_load %arg6[%parallel_loop3A_258, %parallel_loop3A_259] {strides = array<i32>} : memref<160x128xf32, #tpu.memory_space<vmem>>, vector<1x16xf32>,
        %parallel_loop3A_261 = vector.shape_cast %parallel_loop3A_260 : vector<1x16xf32> to vector<16xf32>
        %parallel_loop3A_262 = arith.constant 11.3137083 : f32
        %parallel_loop3A_263 = vector.broadcast %parallel_loop3A_262 : f32 to vector<16xf32>
        %parallel_loop3A_264 = arith.mulf %parallel_loop3A_261, %parallel_loop3A_263 : vector<16xf32>
        %parallel_loop3A_265 = arith.index_cast %parallel_loop3A_197 : i32 to index
        %parallel_loop3A_266 = arith.constant 80 : index
        %parallel_loop3A_267 = tpu.vector_load %arg6[%parallel_loop3A_265, %parallel_loop3A_266] {strides = array<i32>} : memref<160x128xf32, #tpu.memory_space<vmem>>, vector<1x16xf32>,
        %parallel_loop3A_268 = vector.shape_cast %parallel_loop3A_267 : vector<1x16xf32> to vector<16xf32>
        %parallel_loop3A_269 = vector.shape_cast %parallel_loop3A_264 : vector<16xf32> to vector<1x16xf32>
        tpu.vector_store %arg6[%parallel_loop3A_265, %parallel_loop3A_266], %parallel_loop3A_269 {strides = array<i32>} : memref<160x128xf32, #tpu.memory_space<vmem>>, vector<1x16xf32>,
        %parallel_loop3A_270 = arith.index_cast %parallel_loop3A_197 : i32 to index
        %parallel_loop3A_271 = arith.constant 96 : index
        %parallel_loop3A_272 = tpu.vector_load %arg6[%parallel_loop3A_270, %parallel_loop3A_271] {strides = array<i32>} : memref<160x128xf32, #tpu.memory_space<vmem>>, vector<1x16xf32>,
        %parallel_loop3A_273 = vector.shape_cast %parallel_loop3A_272 : vector<1x16xf32> to vector<16xf32>
        %parallel_loop3A_274 = arith.constant 11.3137083 : f32
        %parallel_loop3A_275 = vector.broadcast %parallel_loop3A_274 : f32 to vector<16xf32>
        %parallel_loop3A_276 = arith.mulf %parallel_loop3A_273, %parallel_loop3A_275 : vector<16xf32>
        %parallel_loop3A_277 = arith.index_cast %parallel_loop3A_197 : i32 to index
        %parallel_loop3A_278 = arith.constant 96 : index
        %parallel_loop3A_279 = tpu.vector_load %arg6[%parallel_loop3A_277, %parallel_loop3A_278] {strides = array<i32>} : memref<160x128xf32, #tpu.memory_space<vmem>>, vector<1x16xf32>,
        %parallel_loop3A_280 = vector.shape_cast %parallel_loop3A_279 : vector<1x16xf32> to vector<16xf32>
        %parallel_loop3A_281 = vector.shape_cast %parallel_loop3A_276 : vector<16xf32> to vector<1x16xf32>
        tpu.vector_store %arg6[%parallel_loop3A_277, %parallel_loop3A_278], %parallel_loop3A_281 {strides = array<i32>} : memref<160x128xf32, #tpu.memory_space<vmem>>, vector<1x16xf32>,
        %parallel_loop3A_282 = arith.index_cast %parallel_loop3A_197 : i32 to index
        %parallel_loop3A_283 = arith.constant 112 : index
        %parallel_loop3A_284 = tpu.vector_load %arg6[%parallel_loop3A_282, %parallel_loop3A_283] {strides = array<i32>} : memref<160x128xf32, #tpu.memory_space<vmem>>, vector<1x16xf32>,
        %parallel_loop3A_285 = vector.shape_cast %parallel_loop3A_284 : vector<1x16xf32> to vector<16xf32>
        %parallel_loop3A_286 = arith.constant 11.3137083 : f32
        %parallel_loop3A_287 = vector.broadcast %parallel_loop3A_286 : f32 to vector<16xf32>
        %parallel_loop3A_288 = arith.mulf %parallel_loop3A_285, %parallel_loop3A_287 : vector<16xf32>
        %parallel_loop3A_289 = arith.index_cast %parallel_loop3A_197 : i32 to index
        %parallel_loop3A_290 = arith.constant 112 : index
        %parallel_loop3A_291 = tpu.vector_load %arg6[%parallel_loop3A_289, %parallel_loop3A_290] {strides = array<i32>} : memref<160x128xf32, #tpu.memory_space<vmem>>, vector<1x16xf32>,
        %parallel_loop3A_292 = vector.shape_cast %parallel_loop3A_291 : vector<1x16xf32> to vector<16xf32>
        %parallel_loop3A_293 = vector.shape_cast %parallel_loop3A_288 : vector<16xf32> to vector<1x16xf32>
        tpu.vector_store %arg6[%parallel_loop3A_289, %parallel_loop3A_290], %parallel_loop3A_293 {strides = array<i32>} : memref<160x128xf32, #tpu.memory_space<vmem>>, vector<1x16xf32>,
      } {sc.loop_unroll_factor = 2 : i64, sc.parallel_access}
      %mul3A_45 = arith.constant 160 : i32
      %mul3A_46 = arith.muli %add3A_36, %mul3A_45 : i32
      %add3A_47 = arith.addi %mul3A_2, %mul3A_46 : i32
      %dma_start3A_48 = arith.constant 0 : i32
      %dma_start3A_49 = tpu.memref_slice %arg4[%add3A_47, %dma_start3A_48] : memref<819200x128xf32, #tpu.memory_space<hbm>> -> memref<160x128xf32, #tpu.memory_space<hbm>>
      %dma_start3A_50 = arith.constant 0 : i32
      %dma_start3A_51 = tpu.memref_slice %arg4[%add3A_47, %dma_start3A_50] : memref<819200x128xf32, #tpu.memory_space<hbm>> -> memref<160x128xf32, #tpu.memory_space<hbm>>
      tpu.enqueue_dma source(%arg6 : memref<160x128xf32, #tpu.memory_space<vmem>>) target(%dma_start3A_51 : memref<160x128xf32, #tpu.memory_space<hbm>>) target_semaphore(%arg16 : memref<!tpu.dma_semaphore, #tpu.memory_space<semaphore_mem>>)
      %gt3A = arith.constant 0 : i32
      %gt3A_52 = arith.cmpi sgt, %add3A_36, %gt3A : i32
      %convert_element_type3A = arith.extui %gt3A_52 : i1 to i32
      %cond3A = arith.constant 0 : i32
      %cond3A_53 = arith.cmpi ne, %convert_element_type3A, %cond3A : i32
      scf.if %cond3A_53 {
        %sub3A_197 = arith.constant 1 : i32
        %sub3A_198 = arith.subi %add3A_36, %sub3A_197 : i32
        %mul3A_199 = arith.constant 160 : i32
        %mul3A_200 = arith.muli %sub3A_198, %mul3A_199 : i32
        %add3A_201 = arith.addi %mul3A_2, %mul3A_200 : i32
        %dma_wait3A_202 = arith.constant 0 : i32
        %dma_wait3A_203 = tpu.memref_slice %arg4[%add3A_201, %dma_wait3A_202] : memref<819200x128xf32, #tpu.memory_space<hbm>> -> memref<160x128xf32, #tpu.memory_space<hbm>>
        %dma_wait3A_204 = arith.constant 0 : i32
        %dma_wait3A_205 = tpu.memref_slice %arg4[%add3A_201, %dma_wait3A_204] : memref<819200x128xf32, #tpu.memory_space<hbm>> -> memref<160x128xf32, #tpu.memory_space<hbm>>
        tpu.wait_dma2 semaphore(%arg20 : memref<!tpu.dma_semaphore, #tpu.memory_space<semaphore_mem>>) src(%arg10 : memref<160x128xf32, #tpu.memory_space<vmem>>) dst(%dma_wait3A_205 : memref<160x128xf32, #tpu.memory_space<hbm>>)
      } else {
      }
      %add3A_54 = arith.constant 5 : i32
      %add3A_55 = arith.addi %add3A_36, %add3A_54 : i32
      %sub3A = arith.constant 1 : i32
      %sub3A_56 = arith.subi %add3A_55, %sub3A : i32
      %lt3A = arith.constant 160 : i32
      %lt3A_57 = arith.cmpi slt, %sub3A_56, %lt3A : i32
      %convert_element_type3A_58 = arith.extui %lt3A_57 : i1 to i32
      %cond3A_59 = arith.constant 0 : i32
      %cond3A_60 = arith.cmpi ne, %convert_element_type3A_58, %cond3A_59 : i32
      scf.if %cond3A_60 {
        %add3A_197 = arith.constant 5 : i32
        %add3A_198 = arith.addi %add3A_36, %add3A_197 : i32
        %sub3A_199 = arith.constant 1 : i32
        %sub3A_200 = arith.subi %add3A_198, %sub3A_199 : i32
        %mul3A_201 = arith.constant 160 : i32
        %mul3A_202 = arith.muli %sub3A_200, %mul3A_201 : i32
        %dma_start3A_203 = tpu.memref_slice %arg5[%mul3A_202] : memref<25600xi32, #tpu.memory_space<vmem>> -> memref<160xi32, #tpu.memory_space<vmem>>
        %dma_start3A_204 = arith.constant 0 : i32
        %dma_start3A_205 = arith.constant 0 : i32
        %dma_start3A_206 = tpu.memref_slice %arg2[%dma_start3A_204, %dma_start3A_205] : memref<100267x128xf32, #tpu.memory_space<hbm>> -> memref<100267x128xf32, #tpu.memory_space<hbm>>
        tpu.enqueue_indirect_dma source(%dma_start3A_206 : memref<100267x128xf32, #tpu.memory_space<hbm>>) target(%arg10 : memref<160x128xf32, #tpu.memory_space<vmem>>) offsets(%dma_start3A_203 : memref<160xi32, #tpu.memory_space<vmem>>) semaphore(%arg15 : memref<!tpu.dma_semaphore, #tpu.memory_space<semaphore_mem>>)
      } else {
      }
      %mul3A_61 = arith.constant 5 : i32
      %mul3A_62 = arith.muli %scan3A_32, %mul3A_61 : i32
      %add3A_63 = arith.constant 1 : i32
      %add3A_64 = arith.addi %mul3A_62, %add3A_63 : i32
      %mul3A_65 = arith.constant 160 : i32
      %mul3A_66 = arith.muli %add3A_64, %mul3A_65 : i32
      %dma_wait3A_67 = tpu.memref_slice %arg5[%mul3A_66] : memref<25600xi32, #tpu.memory_space<vmem>> -> memref<160xi32, #tpu.memory_space<vmem>>
      %dma_wait3A_68 = arith.constant 0 : i32
      %dma_wait3A_69 = arith.constant 0 : i32
      %dma_wait3A_70 = tpu.memref_slice %arg2[%dma_wait3A_68, %dma_wait3A_69] : memref<100267x128xf32, #tpu.memory_space<hbm>> -> memref<100267x128xf32, #tpu.memory_space<hbm>>
      tpu.wait_indirect_dma semaphore(%arg12 : memref<!tpu.dma_semaphore, #tpu.memory_space<semaphore_mem>>) src(%dma_wait3A_70 : memref<100267x128xf32, #tpu.memory_space<hbm>>) dst(%arg7 : memref<160x128xf32, #tpu.memory_space<vmem>>)
      %parallel_loop3A_71 = arith.constant 0 : i32
      %parallel_loop3A_72 = arith.constant 160 : i32
      %parallel_loop3A_73 = arith.constant 1 : i32
      scf.for %parallel_loop3A_197 = %parallel_loop3A_71 to %parallel_loop3A_72 step %parallel_loop3A_73  : i32 {
        %parallel_loop3A_198 = arith.index_cast %parallel_loop3A_197 : i32 to index
        %parallel_loop3A_199 = arith.constant 0 : index
        %parallel_loop3A_200 = tpu.vector_load %arg7[%parallel_loop3A_198, %parallel_loop3A_199] {strides = array<i32>} : memref<160x128xf32, #tpu.memory_space<vmem>>, vector<1x16xf32>,
        %parallel_loop3A_201 = vector.shape_cast %parallel_loop3A_200 : vector<1x16xf32> to vector<16xf32>
        %parallel_loop3A_202 = arith.constant 11.3137083 : f32
        %parallel_loop3A_203 = vector.broadcast %parallel_loop3A_202 : f32 to vector<16xf32>
        %parallel_loop3A_204 = arith.mulf %parallel_loop3A_201, %parallel_loop3A_203 : vector<16xf32>
        %parallel_loop3A_205 = arith.index_cast %parallel_loop3A_197 : i32 to index
        %parallel_loop3A_206 = arith.constant 0 : index
        %parallel_loop3A_207 = tpu.vector_load %arg7[%parallel_loop3A_205, %parallel_loop3A_206] {strides = array<i32>} : memref<160x128xf32, #tpu.memory_space<vmem>>, vector<1x16xf32>,
        %parallel_loop3A_208 = vector.shape_cast %parallel_loop3A_207 : vector<1x16xf32> to vector<16xf32>
        %parallel_loop3A_209 = vector.shape_cast %parallel_loop3A_204 : vector<16xf32> to vector<1x16xf32>
        tpu.vector_store %arg7[%parallel_loop3A_205, %parallel_loop3A_206], %parallel_loop3A_209 {strides = array<i32>} : memref<160x128xf32, #tpu.memory_space<vmem>>, vector<1x16xf32>,
        %parallel_loop3A_210 = arith.index_cast %parallel_loop3A_197 : i32 to index
        %parallel_loop3A_211 = arith.constant 16 : index
        %parallel_loop3A_212 = tpu.vector_load %arg7[%parallel_loop3A_210, %parallel_loop3A_211] {strides = array<i32>} : memref<160x128xf32, #tpu.memory_space<vmem>>, vector<1x16xf32>,
        %parallel_loop3A_213 = vector.shape_cast %parallel_loop3A_212 : vector<1x16xf32> to vector<16xf32>
        %parallel_loop3A_214 = arith.constant 11.3137083 : f32
        %parallel_loop3A_215 = vector.broadcast %parallel_loop3A_214 : f32 to vector<16xf32>
        %parallel_loop3A_216 = arith.mulf %parallel_loop3A_213, %parallel_loop3A_215 : vector<16xf32>
        %parallel_loop3A_217 = arith.index_cast %parallel_loop3A_197 : i32 to index
        %parallel_loop3A_218 = arith.constant 16 : index
        %parallel_loop3A_219 = tpu.vector_load %arg7[%parallel_loop3A_217, %parallel_loop3A_218] {strides = array<i32>} : memref<160x128xf32, #tpu.memory_space<vmem>>, vector<1x16xf32>,
        %parallel_loop3A_220 = vector.shape_cast %parallel_loop3A_219 : vector<1x16xf32> to vector<16xf32>
        %parallel_loop3A_221 = vector.shape_cast %parallel_loop3A_216 : vector<16xf32> to vector<1x16xf32>
        tpu.vector_store %arg7[%parallel_loop3A_217, %parallel_loop3A_218], %parallel_loop3A_221 {strides = array<i32>} : memref<160x128xf32, #tpu.memory_space<vmem>>, vector<1x16xf32>,
        %parallel_loop3A_222 = arith.index_cast %parallel_loop3A_197 : i32 to index
        %parallel_loop3A_223 = arith.constant 32 : index
        %parallel_loop3A_224 = tpu.vector_load %arg7[%parallel_loop3A_222, %parallel_loop3A_223] {strides = array<i32>} : memref<160x128xf32, #tpu.memory_space<vmem>>, vector<1x16xf32>,
        %parallel_loop3A_225 = vector.shape_cast %parallel_loop3A_224 : vector<1x16xf32> to vector<16xf32>
        %parallel_loop3A_226 = arith.constant 11.3137083 : f32
        %parallel_loop3A_227 = vector.broadcast %parallel_loop3A_226 : f32 to vector<16xf32>
        %parallel_loop3A_228 = arith.mulf %parallel_loop3A_225, %parallel_loop3A_227 : vector<16xf32>
        %parallel_loop3A_229 = arith.index_cast %parallel_loop3A_197 : i32 to index
        %parallel_loop3A_230 = arith.constant 32 : index
        %parallel_loop3A_231 = tpu.vector_load %arg7[%parallel_loop3A_229, %parallel_loop3A_230] {strides = array<i32>} : memref<160x128xf32, #tpu.memory_space<vmem>>, vector<1x16xf32>,
        %parallel_loop3A_232 = vector.shape_cast %parallel_loop3A_231 : vector<1x16xf32> to vector<16xf32>
        %parallel_loop3A_233 = vector.shape_cast %parallel_loop3A_228 : vector<16xf32> to vector<1x16xf32>
        tpu.vector_store %arg7[%parallel_loop3A_229, %parallel_loop3A_230], %parallel_loop3A_233 {strides = array<i32>} : memref<160x128xf32, #tpu.memory_space<vmem>>, vector<1x16xf32>,
        %parallel_loop3A_234 = arith.index_cast %parallel_loop3A_197 : i32 to index
        %parallel_loop3A_235 = arith.constant 48 : index
        %parallel_loop3A_236 = tpu.vector_load %arg7[%parallel_loop3A_234, %parallel_loop3A_235] {strides = array<i32>} : memref<160x128xf32, #tpu.memory_space<vmem>>, vector<1x16xf32>,
        %parallel_loop3A_237 = vector.shape_cast %parallel_loop3A_236 : vector<1x16xf32> to vector<16xf32>
        %parallel_loop3A_238 = arith.constant 11.3137083 : f32
        %parallel_loop3A_239 = vector.broadcast %parallel_loop3A_238 : f32 to vector<16xf32>
        %parallel_loop3A_240 = arith.mulf %parallel_loop3A_237, %parallel_loop3A_239 : vector<16xf32>
        %parallel_loop3A_241 = arith.index_cast %parallel_loop3A_197 : i32 to index
        %parallel_loop3A_242 = arith.constant 48 : index
        %parallel_loop3A_243 = tpu.vector_load %arg7[%parallel_loop3A_241, %parallel_loop3A_242] {strides = array<i32>} : memref<160x128xf32, #tpu.memory_space<vmem>>, vector<1x16xf32>,
        %parallel_loop3A_244 = vector.shape_cast %parallel_loop3A_243 : vector<1x16xf32> to vector<16xf32>
        %parallel_loop3A_245 = vector.shape_cast %parallel_loop3A_240 : vector<16xf32> to vector<1x16xf32>
        tpu.vector_store %arg7[%parallel_loop3A_241, %parallel_loop3A_242], %parallel_loop3A_245 {strides = array<i32>} : memref<160x128xf32, #tpu.memory_space<vmem>>, vector<1x16xf32>,
        %parallel_loop3A_246 = arith.index_cast %parallel_loop3A_197 : i32 to index
        %parallel_loop3A_247 = arith.constant 64 : index
        %parallel_loop3A_248 = tpu.vector_load %arg7[%parallel_loop3A_246, %parallel_loop3A_247] {strides = array<i32>} : memref<160x128xf32, #tpu.memory_space<vmem>>, vector<1x16xf32>,
        %parallel_loop3A_249 = vector.shape_cast %parallel_loop3A_248 : vector<1x16xf32> to vector<16xf32>
        %parallel_loop3A_250 = arith.constant 11.3137083 : f32
        %parallel_loop3A_251 = vector.broadcast %parallel_loop3A_250 : f32 to vector<16xf32>
        %parallel_loop3A_252 = arith.mulf %parallel_loop3A_249, %parallel_loop3A_251 : vector<16xf32>
        %parallel_loop3A_253 = arith.index_cast %parallel_loop3A_197 : i32 to index
        %parallel_loop3A_254 = arith.constant 64 : index
        %parallel_loop3A_255 = tpu.vector_load %arg7[%parallel_loop3A_253, %parallel_loop3A_254] {strides = array<i32>} : memref<160x128xf32, #tpu.memory_space<vmem>>, vector<1x16xf32>,
        %parallel_loop3A_256 = vector.shape_cast %parallel_loop3A_255 : vector<1x16xf32> to vector<16xf32>
        %parallel_loop3A_257 = vector.shape_cast %parallel_loop3A_252 : vector<16xf32> to vector<1x16xf32>
        tpu.vector_store %arg7[%parallel_loop3A_253, %parallel_loop3A_254], %parallel_loop3A_257 {strides = array<i32>} : memref<160x128xf32, #tpu.memory_space<vmem>>, vector<1x16xf32>,
        %parallel_loop3A_258 = arith.index_cast %parallel_loop3A_197 : i32 to index
        %parallel_loop3A_259 = arith.constant 80 : index
        %parallel_loop3A_260 = tpu.vector_load %arg7[%parallel_loop3A_258, %parallel_loop3A_259] {strides = array<i32>} : memref<160x128xf32, #tpu.memory_space<vmem>>, vector<1x16xf32>,
        %parallel_loop3A_261 = vector.shape_cast %parallel_loop3A_260 : vector<1x16xf32> to vector<16xf32>
        %parallel_loop3A_262 = arith.constant 11.3137083 : f32
        %parallel_loop3A_263 = vector.broadcast %parallel_loop3A_262 : f32 to vector<16xf32>
        %parallel_loop3A_264 = arith.mulf %parallel_loop3A_261, %parallel_loop3A_263 : vector<16xf32>
        %parallel_loop3A_265 = arith.index_cast %parallel_loop3A_197 : i32 to index
        %parallel_loop3A_266 = arith.constant 80 : index
        %parallel_loop3A_267 = tpu.vector_load %arg7[%parallel_loop3A_265, %parallel_loop3A_266] {strides = array<i32>} : memref<160x128xf32, #tpu.memory_space<vmem>>, vector<1x16xf32>,
        %parallel_loop3A_268 = vector.shape_cast %parallel_loop3A_267 : vector<1x16xf32> to vector<16xf32>
        %parallel_loop3A_269 = vector.shape_cast %parallel_loop3A_264 : vector<16xf32> to vector<1x16xf32>
        tpu.vector_store %arg7[%parallel_loop3A_265, %parallel_loop3A_266], %parallel_loop3A_269 {strides = array<i32>} : memref<160x128xf32, #tpu.memory_space<vmem>>, vector<1x16xf32>,
        %parallel_loop3A_270 = arith.index_cast %parallel_loop3A_197 : i32 to index
        %parallel_loop3A_271 = arith.constant 96 : index
        %parallel_loop3A_272 = tpu.vector_load %arg7[%parallel_loop3A_270, %parallel_loop3A_271] {strides = array<i32>} : memref<160x128xf32, #tpu.memory_space<vmem>>, vector<1x16xf32>,
        %parallel_loop3A_273 = vector.shape_cast %parallel_loop3A_272 : vector<1x16xf32> to vector<16xf32>
        %parallel_loop3A_274 = arith.constant 11.3137083 : f32
        %parallel_loop3A_275 = vector.broadcast %parallel_loop3A_274 : f32 to vector<16xf32>
        %parallel_loop3A_276 = arith.mulf %parallel_loop3A_273, %parallel_loop3A_275 : vector<16xf32>
        %parallel_loop3A_277 = arith.index_cast %parallel_loop3A_197 : i32 to index
        %parallel_loop3A_278 = arith.constant 96 : index
        %parallel_loop3A_279 = tpu.vector_load %arg7[%parallel_loop3A_277, %parallel_loop3A_278] {strides = array<i32>} : memref<160x128xf32, #tpu.memory_space<vmem>>, vector<1x16xf32>,
        %parallel_loop3A_280 = vector.shape_cast %parallel_loop3A_279 : vector<1x16xf32> to vector<16xf32>
        %parallel_loop3A_281 = vector.shape_cast %parallel_loop3A_276 : vector<16xf32> to vector<1x16xf32>
        tpu.vector_store %arg7[%parallel_loop3A_277, %parallel_loop3A_278], %parallel_loop3A_281 {strides = array<i32>} : memref<160x128xf32, #tpu.memory_space<vmem>>, vector<1x16xf32>,
        %parallel_loop3A_282 = arith.index_cast %parallel_loop3A_197 : i32 to index
        %parallel_loop3A_283 = arith.constant 112 : index
        %parallel_loop3A_284 = tpu.vector_load %arg7[%parallel_loop3A_282, %parallel_loop3A_283] {strides = array<i32>} : memref<160x128xf32, #tpu.memory_space<vmem>>, vector<1x16xf32>,
        %parallel_loop3A_285 = vector.shape_cast %parallel_loop3A_284 : vector<1x16xf32> to vector<16xf32>
        %parallel_loop3A_286 = arith.constant 11.3137083 : f32
        %parallel_loop3A_287 = vector.broadcast %parallel_loop3A_286 : f32 to vector<16xf32>
        %parallel_loop3A_288 = arith.mulf %parallel_loop3A_285, %parallel_loop3A_287 : vector<16xf32>
        %parallel_loop3A_289 = arith.index_cast %parallel_loop3A_197 : i32 to index
        %parallel_loop3A_290 = arith.constant 112 : index
        %parallel_loop3A_291 = tpu.vector_load %arg7[%parallel_loop3A_289, %parallel_loop3A_290] {strides = array<i32>} : memref<160x128xf32, #tpu.memory_space<vmem>>, vector<1x16xf32>,
        %parallel_loop3A_292 = vector.shape_cast %parallel_loop3A_291 : vector<1x16xf32> to vector<16xf32>
        %parallel_loop3A_293 = vector.shape_cast %parallel_loop3A_288 : vector<16xf32> to vector<1x16xf32>
        tpu.vector_store %arg7[%parallel_loop3A_289, %parallel_loop3A_290], %parallel_loop3A_293 {strides = array<i32>} : memref<160x128xf32, #tpu.memory_space<vmem>>, vector<1x16xf32>,
      } {sc.loop_unroll_factor = 2 : i64, sc.parallel_access}
      %mul3A_74 = arith.constant 160 : i32
      %mul3A_75 = arith.muli %add3A_64, %mul3A_74 : i32
      %add3A_76 = arith.addi %mul3A_2, %mul3A_75 : i32
      %dma_start3A_77 = arith.constant 0 : i32
      %dma_start3A_78 = tpu.memref_slice %arg4[%add3A_76, %dma_start3A_77] : memref<819200x128xf32, #tpu.memory_space<hbm>> -> memref<160x128xf32, #tpu.memory_space<hbm>>
      %dma_start3A_79 = arith.constant 0 : i32
      %dma_start3A_80 = tpu.memref_slice %arg4[%add3A_76, %dma_start3A_79] : memref<819200x128xf32, #tpu.memory_space<hbm>> -> memref<160x128xf32, #tpu.memory_space<hbm>>
      tpu.enqueue_dma source(%arg7 : memref<160x128xf32, #tpu.memory_space<vmem>>) target(%dma_start3A_80 : memref<160x128xf32, #tpu.memory_space<hbm>>) target_semaphore(%arg17 : memref<!tpu.dma_semaphore, #tpu.memory_space<semaphore_mem>>)
      %gt3A_81 = arith.constant 0 : i32
      %gt3A_82 = arith.cmpi sgt, %add3A_64, %gt3A_81 : i32
      %convert_element_type3A_83 = arith.extui %gt3A_82 : i1 to i32
      %cond3A_84 = arith.constant 0 : i32
      %cond3A_85 = arith.cmpi ne, %convert_element_type3A_83, %cond3A_84 : i32
      scf.if %cond3A_85 {
        %sub3A_197 = arith.constant 1 : i32
        %sub3A_198 = arith.subi %add3A_64, %sub3A_197 : i32
        %mul3A_199 = arith.constant 160 : i32
        %mul3A_200 = arith.muli %sub3A_198, %mul3A_199 : i32
        %add3A_201 = arith.addi %mul3A_2, %mul3A_200 : i32
        %dma_wait3A_202 = arith.constant 0 : i32
        %dma_wait3A_203 = tpu.memref_slice %arg4[%add3A_201, %dma_wait3A_202] : memref<819200x128xf32, #tpu.memory_space<hbm>> -> memref<160x128xf32, #tpu.memory_space<hbm>>
        %dma_wait3A_204 = arith.constant 0 : i32
        %dma_wait3A_205 = tpu.memref_slice %arg4[%add3A_201, %dma_wait3A_204] : memref<819200x128xf32, #tpu.memory_space<hbm>> -> memref<160x128xf32, #tpu.memory_space<hbm>>
        tpu.wait_dma2 semaphore(%arg16 : memref<!tpu.dma_semaphore, #tpu.memory_space<semaphore_mem>>) src(%arg6 : memref<160x128xf32, #tpu.memory_space<vmem>>) dst(%dma_wait3A_205 : memref<160x128xf32, #tpu.memory_space<hbm>>)
      } else {
      }
      %add3A_86 = arith.constant 5 : i32
      %add3A_87 = arith.addi %add3A_64, %add3A_86 : i32
      %sub3A_88 = arith.constant 1 : i32
      %sub3A_89 = arith.subi %add3A_87, %sub3A_88 : i32
      %lt3A_90 = arith.constant 160 : i32
      %lt3A_91 = arith.cmpi slt, %sub3A_89, %lt3A_90 : i32
      %convert_element_type3A_92 = arith.extui %lt3A_91 : i1 to i32
      %cond3A_93 = arith.constant 0 : i32
      %cond3A_94 = arith.cmpi ne, %convert_element_type3A_92, %cond3A_93 : i32
      scf.if %cond3A_94 {
        %add3A_197 = arith.constant 5 : i32
        %add3A_198 = arith.addi %add3A_64, %add3A_197 : i32
        %sub3A_199 = arith.constant 1 : i32
        %sub3A_200 = arith.subi %add3A_198, %sub3A_199 : i32
        %mul3A_201 = arith.constant 160 : i32
        %mul3A_202 = arith.muli %sub3A_200, %mul3A_201 : i32
        %dma_start3A_203 = tpu.memref_slice %arg5[%mul3A_202] : memref<25600xi32, #tpu.memory_space<vmem>> -> memref<160xi32, #tpu.memory_space<vmem>>
        %dma_start3A_204 = arith.constant 0 : i32
        %dma_start3A_205 = arith.constant 0 : i32
        %dma_start3A_206 = tpu.memref_slice %arg2[%dma_start3A_204, %dma_start3A_205] : memref<100267x128xf32, #tpu.memory_space<hbm>> -> memref<100267x128xf32, #tpu.memory_space<hbm>>
        tpu.enqueue_indirect_dma source(%dma_start3A_206 : memref<100267x128xf32, #tpu.memory_space<hbm>>) target(%arg6 : memref<160x128xf32, #tpu.memory_space<vmem>>) offsets(%dma_start3A_203 : memref<160xi32, #tpu.memory_space<vmem>>) semaphore(%arg11 : memref<!tpu.dma_semaphore, #tpu.memory_space<semaphore_mem>>)
      } else {
      }
      %mul3A_95 = arith.constant 5 : i32
      %mul3A_96 = arith.muli %scan3A_32, %mul3A_95 : i32
      %add3A_97 = arith.constant 2 : i32
      %add3A_98 = arith.addi %mul3A_96, %add3A_97 : i32
      %mul3A_99 = arith.constant 160 : i32
      %mul3A_100 = arith.muli %add3A_98, %mul3A_99 : i32
      %dma_wait3A_101 = tpu.memref_slice %arg5[%mul3A_100] : memref<25600xi32, #tpu.memory_space<vmem>> -> memref<160xi32, #tpu.memory_space<vmem>>
      %dma_wait3A_102 = arith.constant 0 : i32
      %dma_wait3A_103 = arith.constant 0 : i32
      %dma_wait3A_104 = tpu.memref_slice %arg2[%dma_wait3A_102, %dma_wait3A_103] : memref<100267x128xf32, #tpu.memory_space<hbm>> -> memref<100267x128xf32, #tpu.memory_space<hbm>>
      tpu.wait_indirect_dma semaphore(%arg13 : memref<!tpu.dma_semaphore, #tpu.memory_space<semaphore_mem>>) src(%dma_wait3A_104 : memref<100267x128xf32, #tpu.memory_space<hbm>>) dst(%arg8 : memref<160x128xf32, #tpu.memory_space<vmem>>)
      %parallel_loop3A_105 = arith.constant 0 : i32
      %parallel_loop3A_106 = arith.constant 160 : i32
      %parallel_loop3A_107 = arith.constant 1 : i32
      scf.for %parallel_loop3A_197 = %parallel_loop3A_105 to %parallel_loop3A_106 step %parallel_loop3A_107  : i32 {
        %parallel_loop3A_198 = arith.index_cast %parallel_loop3A_197 : i32 to index
        %parallel_loop3A_199 = arith.constant 0 : index
        %parallel_loop3A_200 = tpu.vector_load %arg8[%parallel_loop3A_198, %parallel_loop3A_199] {strides = array<i32>} : memref<160x128xf32, #tpu.memory_space<vmem>>, vector<1x16xf32>,
        %parallel_loop3A_201 = vector.shape_cast %parallel_loop3A_200 : vector<1x16xf32> to vector<16xf32>
        %parallel_loop3A_202 = arith.constant 11.3137083 : f32
        %parallel_loop3A_203 = vector.broadcast %parallel_loop3A_202 : f32 to vector<16xf32>
        %parallel_loop3A_204 = arith.mulf %parallel_loop3A_201, %parallel_loop3A_203 : vector<16xf32>
        %parallel_loop3A_205 = arith.index_cast %parallel_loop3A_197 : i32 to index
        %parallel_loop3A_206 = arith.constant 0 : index
        %parallel_loop3A_207 = tpu.vector_load %arg8[%parallel_loop3A_205, %parallel_loop3A_206] {strides = array<i32>} : memref<160x128xf32, #tpu.memory_space<vmem>>, vector<1x16xf32>,
        %parallel_loop3A_208 = vector.shape_cast %parallel_loop3A_207 : vector<1x16xf32> to vector<16xf32>
        %parallel_loop3A_209 = vector.shape_cast %parallel_loop3A_204 : vector<16xf32> to vector<1x16xf32>
        tpu.vector_store %arg8[%parallel_loop3A_205, %parallel_loop3A_206], %parallel_loop3A_209 {strides = array<i32>} : memref<160x128xf32, #tpu.memory_space<vmem>>, vector<1x16xf32>,
        %parallel_loop3A_210 = arith.index_cast %parallel_loop3A_197 : i32 to index
        %parallel_loop3A_211 = arith.constant 16 : index
        %parallel_loop3A_212 = tpu.vector_load %arg8[%parallel_loop3A_210, %parallel_loop3A_211] {strides = array<i32>} : memref<160x128xf32, #tpu.memory_space<vmem>>, vector<1x16xf32>,
        %parallel_loop3A_213 = vector.shape_cast %parallel_loop3A_212 : vector<1x16xf32> to vector<16xf32>
        %parallel_loop3A_214 = arith.constant 11.3137083 : f32
        %parallel_loop3A_215 = vector.broadcast %parallel_loop3A_214 : f32 to vector<16xf32>
        %parallel_loop3A_216 = arith.mulf %parallel_loop3A_213, %parallel_loop3A_215 : vector<16xf32>
        %parallel_loop3A_217 = arith.index_cast %parallel_loop3A_197 : i32 to index
        %parallel_loop3A_218 = arith.constant 16 : index
        %parallel_loop3A_219 = tpu.vector_load %arg8[%parallel_loop3A_217, %parallel_loop3A_218] {strides = array<i32>} : memref<160x128xf32, #tpu.memory_space<vmem>>, vector<1x16xf32>,
        %parallel_loop3A_220 = vector.shape_cast %parallel_loop3A_219 : vector<1x16xf32> to vector<16xf32>
        %parallel_loop3A_221 = vector.shape_cast %parallel_loop3A_216 : vector<16xf32> to vector<1x16xf32>
        tpu.vector_store %arg8[%parallel_loop3A_217, %parallel_loop3A_218], %parallel_loop3A_221 {strides = array<i32>} : memref<160x128xf32, #tpu.memory_space<vmem>>, vector<1x16xf32>,
        %parallel_loop3A_222 = arith.index_cast %parallel_loop3A_197 : i32 to index
        %parallel_loop3A_223 = arith.constant 32 : index
        %parallel_loop3A_224 = tpu.vector_load %arg8[%parallel_loop3A_222, %parallel_loop3A_223] {strides = array<i32>} : memref<160x128xf32, #tpu.memory_space<vmem>>, vector<1x16xf32>,
        %parallel_loop3A_225 = vector.shape_cast %parallel_loop3A_224 : vector<1x16xf32> to vector<16xf32>
        %parallel_loop3A_226 = arith.constant 11.3137083 : f32
        %parallel_loop3A_227 = vector.broadcast %parallel_loop3A_226 : f32 to vector<16xf32>
        %parallel_loop3A_228 = arith.mulf %parallel_loop3A_225, %parallel_loop3A_227 : vector<16xf32>
        %parallel_loop3A_229 = arith.index_cast %parallel_loop3A_197 : i32 to index
        %parallel_loop3A_230 = arith.constant 32 : index
        %parallel_loop3A_231 = tpu.vector_load %arg8[%parallel_loop3A_229, %parallel_loop3A_230] {strides = array<i32>} : memref<160x128xf32, #tpu.memory_space<vmem>>, vector<1x16xf32>,
        %parallel_loop3A_232 = vector.shape_cast %parallel_loop3A_231 : vector<1x16xf32> to vector<16xf32>
        %parallel_loop3A_233 = vector.shape_cast %parallel_loop3A_228 : vector<16xf32> to vector<1x16xf32>
        tpu.vector_store %arg8[%parallel_loop3A_229, %parallel_loop3A_230], %parallel_loop3A_233 {strides = array<i32>} : memref<160x128xf32, #tpu.memory_space<vmem>>, vector<1x16xf32>,
        %parallel_loop3A_234 = arith.index_cast %parallel_loop3A_197 : i32 to index
        %parallel_loop3A_235 = arith.constant 48 : index
        %parallel_loop3A_236 = tpu.vector_load %arg8[%parallel_loop3A_234, %parallel_loop3A_235] {strides = array<i32>} : memref<160x128xf32, #tpu.memory_space<vmem>>, vector<1x16xf32>,
        %parallel_loop3A_237 = vector.shape_cast %parallel_loop3A_236 : vector<1x16xf32> to vector<16xf32>
        %parallel_loop3A_238 = arith.constant 11.3137083 : f32
        %parallel_loop3A_239 = vector.broadcast %parallel_loop3A_238 : f32 to vector<16xf32>
        %parallel_loop3A_240 = arith.mulf %parallel_loop3A_237, %parallel_loop3A_239 : vector<16xf32>
        %parallel_loop3A_241 = arith.index_cast %parallel_loop3A_197 : i32 to index
        %parallel_loop3A_242 = arith.constant 48 : index
        %parallel_loop3A_243 = tpu.vector_load %arg8[%parallel_loop3A_241, %parallel_loop3A_242] {strides = array<i32>} : memref<160x128xf32, #tpu.memory_space<vmem>>, vector<1x16xf32>,
        %parallel_loop3A_244 = vector.shape_cast %parallel_loop3A_243 : vector<1x16xf32> to vector<16xf32>
        %parallel_loop3A_245 = vector.shape_cast %parallel_loop3A_240 : vector<16xf32> to vector<1x16xf32>
        tpu.vector_store %arg8[%parallel_loop3A_241, %parallel_loop3A_242], %parallel_loop3A_245 {strides = array<i32>} : memref<160x128xf32, #tpu.memory_space<vmem>>, vector<1x16xf32>,
        %parallel_loop3A_246 = arith.index_cast %parallel_loop3A_197 : i32 to index
        %parallel_loop3A_247 = arith.constant 64 : index
        %parallel_loop3A_248 = tpu.vector_load %arg8[%parallel_loop3A_246, %parallel_loop3A_247] {strides = array<i32>} : memref<160x128xf32, #tpu.memory_space<vmem>>, vector<1x16xf32>,
        %parallel_loop3A_249 = vector.shape_cast %parallel_loop3A_248 : vector<1x16xf32> to vector<16xf32>
        %parallel_loop3A_250 = arith.constant 11.3137083 : f32
        %parallel_loop3A_251 = vector.broadcast %parallel_loop3A_250 : f32 to vector<16xf32>
        %parallel_loop3A_252 = arith.mulf %parallel_loop3A_249, %parallel_loop3A_251 : vector<16xf32>
        %parallel_loop3A_253 = arith.index_cast %parallel_loop3A_197 : i32 to index
        %parallel_loop3A_254 = arith.constant 64 : index
        %parallel_loop3A_255 = tpu.vector_load %arg8[%parallel_loop3A_253, %parallel_loop3A_254] {strides = array<i32>} : memref<160x128xf32, #tpu.memory_space<vmem>>, vector<1x16xf32>,
        %parallel_loop3A_256 = vector.shape_cast %parallel_loop3A_255 : vector<1x16xf32> to vector<16xf32>
        %parallel_loop3A_257 = vector.shape_cast %parallel_loop3A_252 : vector<16xf32> to vector<1x16xf32>
        tpu.vector_store %arg8[%parallel_loop3A_253, %parallel_loop3A_254], %parallel_loop3A_257 {strides = array<i32>} : memref<160x128xf32, #tpu.memory_space<vmem>>, vector<1x16xf32>,
        %parallel_loop3A_258 = arith.index_cast %parallel_loop3A_197 : i32 to index
        %parallel_loop3A_259 = arith.constant 80 : index
        %parallel_loop3A_260 = tpu.vector_load %arg8[%parallel_loop3A_258, %parallel_loop3A_259] {strides = array<i32>} : memref<160x128xf32, #tpu.memory_space<vmem>>, vector<1x16xf32>,
        %parallel_loop3A_261 = vector.shape_cast %parallel_loop3A_260 : vector<1x16xf32> to vector<16xf32>
        %parallel_loop3A_262 = arith.constant 11.3137083 : f32
        %parallel_loop3A_263 = vector.broadcast %parallel_loop3A_262 : f32 to vector<16xf32>
        %parallel_loop3A_264 = arith.mulf %parallel_loop3A_261, %parallel_loop3A_263 : vector<16xf32>
        %parallel_loop3A_265 = arith.index_cast %parallel_loop3A_197 : i32 to index
        %parallel_loop3A_266 = arith.constant 80 : index
        %parallel_loop3A_267 = tpu.vector_load %arg8[%parallel_loop3A_265, %parallel_loop3A_266] {strides = array<i32>} : memref<160x128xf32, #tpu.memory_space<vmem>>, vector<1x16xf32>,
        %parallel_loop3A_268 = vector.shape_cast %parallel_loop3A_267 : vector<1x16xf32> to vector<16xf32>
        %parallel_loop3A_269 = vector.shape_cast %parallel_loop3A_264 : vector<16xf32> to vector<1x16xf32>
        tpu.vector_store %arg8[%parallel_loop3A_265, %parallel_loop3A_266], %parallel_loop3A_269 {strides = array<i32>} : memref<160x128xf32, #tpu.memory_space<vmem>>, vector<1x16xf32>,
        %parallel_loop3A_270 = arith.index_cast %parallel_loop3A_197 : i32 to index
        %parallel_loop3A_271 = arith.constant 96 : index
        %parallel_loop3A_272 = tpu.vector_load %arg8[%parallel_loop3A_270, %parallel_loop3A_271] {strides = array<i32>} : memref<160x128xf32, #tpu.memory_space<vmem>>, vector<1x16xf32>,
        %parallel_loop3A_273 = vector.shape_cast %parallel_loop3A_272 : vector<1x16xf32> to vector<16xf32>
        %parallel_loop3A_274 = arith.constant 11.3137083 : f32
        %parallel_loop3A_275 = vector.broadcast %parallel_loop3A_274 : f32 to vector<16xf32>
        %parallel_loop3A_276 = arith.mulf %parallel_loop3A_273, %parallel_loop3A_275 : vector<16xf32>
        %parallel_loop3A_277 = arith.index_cast %parallel_loop3A_197 : i32 to index
        %parallel_loop3A_278 = arith.constant 96 : index
        %parallel_loop3A_279 = tpu.vector_load %arg8[%parallel_loop3A_277, %parallel_loop3A_278] {strides = array<i32>} : memref<160x128xf32, #tpu.memory_space<vmem>>, vector<1x16xf32>,
        %parallel_loop3A_280 = vector.shape_cast %parallel_loop3A_279 : vector<1x16xf32> to vector<16xf32>
        %parallel_loop3A_281 = vector.shape_cast %parallel_loop3A_276 : vector<16xf32> to vector<1x16xf32>
        tpu.vector_store %arg8[%parallel_loop3A_277, %parallel_loop3A_278], %parallel_loop3A_281 {strides = array<i32>} : memref<160x128xf32, #tpu.memory_space<vmem>>, vector<1x16xf32>,
        %parallel_loop3A_282 = arith.index_cast %parallel_loop3A_197 : i32 to index
        %parallel_loop3A_283 = arith.constant 112 : index
        %parallel_loop3A_284 = tpu.vector_load %arg8[%parallel_loop3A_282, %parallel_loop3A_283] {strides = array<i32>} : memref<160x128xf32, #tpu.memory_space<vmem>>, vector<1x16xf32>,
        %parallel_loop3A_285 = vector.shape_cast %parallel_loop3A_284 : vector<1x16xf32> to vector<16xf32>
        %parallel_loop3A_286 = arith.constant 11.3137083 : f32
        %parallel_loop3A_287 = vector.broadcast %parallel_loop3A_286 : f32 to vector<16xf32>
        %parallel_loop3A_288 = arith.mulf %parallel_loop3A_285, %parallel_loop3A_287 : vector<16xf32>
        %parallel_loop3A_289 = arith.index_cast %parallel_loop3A_197 : i32 to index
        %parallel_loop3A_290 = arith.constant 112 : index
        %parallel_loop3A_291 = tpu.vector_load %arg8[%parallel_loop3A_289, %parallel_loop3A_290] {strides = array<i32>} : memref<160x128xf32, #tpu.memory_space<vmem>>, vector<1x16xf32>,
        %parallel_loop3A_292 = vector.shape_cast %parallel_loop3A_291 : vector<1x16xf32> to vector<16xf32>
        %parallel_loop3A_293 = vector.shape_cast %parallel_loop3A_288 : vector<16xf32> to vector<1x16xf32>
        tpu.vector_store %arg8[%parallel_loop3A_289, %parallel_loop3A_290], %parallel_loop3A_293 {strides = array<i32>} : memref<160x128xf32, #tpu.memory_space<vmem>>, vector<1x16xf32>,
      } {sc.loop_unroll_factor = 2 : i64, sc.parallel_access}
      %mul3A_108 = arith.constant 160 : i32
      %mul3A_109 = arith.muli %add3A_98, %mul3A_108 : i32
      %add3A_110 = arith.addi %mul3A_2, %mul3A_109 : i32
      %dma_start3A_111 = arith.constant 0 : i32
      %dma_start3A_112 = tpu.memref_slice %arg4[%add3A_110, %dma_start3A_111] : memref<819200x128xf32, #tpu.memory_space<hbm>> -> memref<160x128xf32, #tpu.memory_space<hbm>>
      %dma_start3A_113 = arith.constant 0 : i32
      %dma_start3A_114 = tpu.memref_slice %arg4[%add3A_110, %dma_start3A_113] : memref<819200x128xf32, #tpu.memory_space<hbm>> -> memref<160x128xf32, #tpu.memory_space<hbm>>
      tpu.enqueue_dma source(%arg8 : memref<160x128xf32, #tpu.memory_space<vmem>>) target(%dma_start3A_114 : memref<160x128xf32, #tpu.memory_space<hbm>>) target_semaphore(%arg18 : memref<!tpu.dma_semaphore, #tpu.memory_space<semaphore_mem>>)
      %gt3A_115 = arith.constant 0 : i32
      %gt3A_116 = arith.cmpi sgt, %add3A_98, %gt3A_115 : i32
      %convert_element_type3A_117 = arith.extui %gt3A_116 : i1 to i32
      %cond3A_118 = arith.constant 0 : i32
      %cond3A_119 = arith.cmpi ne, %convert_element_type3A_117, %cond3A_118 : i32
      scf.if %cond3A_119 {
        %sub3A_197 = arith.constant 1 : i32
        %sub3A_198 = arith.subi %add3A_98, %sub3A_197 : i32
        %mul3A_199 = arith.constant 160 : i32
        %mul3A_200 = arith.muli %sub3A_198, %mul3A_199 : i32
        %add3A_201 = arith.addi %mul3A_2, %mul3A_200 : i32
        %dma_wait3A_202 = arith.constant 0 : i32
        %dma_wait3A_203 = tpu.memref_slice %arg4[%add3A_201, %dma_wait3A_202] : memref<819200x128xf32, #tpu.memory_space<hbm>> -> memref<160x128xf32, #tpu.memory_space<hbm>>
        %dma_wait3A_204 = arith.constant 0 : i32
        %dma_wait3A_205 = tpu.memref_slice %arg4[%add3A_201, %dma_wait3A_204] : memref<819200x128xf32, #tpu.memory_space<hbm>> -> memref<160x128xf32, #tpu.memory_space<hbm>>
        tpu.wait_dma2 semaphore(%arg17 : memref<!tpu.dma_semaphore, #tpu.memory_space<semaphore_mem>>) src(%arg7 : memref<160x128xf32, #tpu.memory_space<vmem>>) dst(%dma_wait3A_205 : memref<160x128xf32, #tpu.memory_space<hbm>>)
      } else {
      }
      %add3A_120 = arith.constant 5 : i32
      %add3A_121 = arith.addi %add3A_98, %add3A_120 : i32
      %sub3A_122 = arith.constant 1 : i32
      %sub3A_123 = arith.subi %add3A_121, %sub3A_122 : i32
      %lt3A_124 = arith.constant 160 : i32
      %lt3A_125 = arith.cmpi slt, %sub3A_123, %lt3A_124 : i32
      %convert_element_type3A_126 = arith.extui %lt3A_125 : i1 to i32
      %cond3A_127 = arith.constant 0 : i32
      %cond3A_128 = arith.cmpi ne, %convert_element_type3A_126, %cond3A_127 : i32
      scf.if %cond3A_128 {
        %add3A_197 = arith.constant 5 : i32
        %add3A_198 = arith.addi %add3A_98, %add3A_197 : i32
        %sub3A_199 = arith.constant 1 : i32
        %sub3A_200 = arith.subi %add3A_198, %sub3A_199 : i32
        %mul3A_201 = arith.constant 160 : i32
        %mul3A_202 = arith.muli %sub3A_200, %mul3A_201 : i32
        %dma_start3A_203 = tpu.memref_slice %arg5[%mul3A_202] : memref<25600xi32, #tpu.memory_space<vmem>> -> memref<160xi32, #tpu.memory_space<vmem>>
        %dma_start3A_204 = arith.constant 0 : i32
        %dma_start3A_205 = arith.constant 0 : i32
        %dma_start3A_206 = tpu.memref_slice %arg2[%dma_start3A_204, %dma_start3A_205] : memref<100267x128xf32, #tpu.memory_space<hbm>> -> memref<100267x128xf32, #tpu.memory_space<hbm>>
        tpu.enqueue_indirect_dma source(%dma_start3A_206 : memref<100267x128xf32, #tpu.memory_space<hbm>>) target(%arg7 : memref<160x128xf32, #tpu.memory_space<vmem>>) offsets(%dma_start3A_203 : memref<160xi32, #tpu.memory_space<vmem>>) semaphore(%arg12 : memref<!tpu.dma_semaphore, #tpu.memory_space<semaphore_mem>>)
      } else {
      }
      %mul3A_129 = arith.constant 5 : i32
      %mul3A_130 = arith.muli %scan3A_32, %mul3A_129 : i32
      %add3A_131 = arith.constant 3 : i32
      %add3A_132 = arith.addi %mul3A_130, %add3A_131 : i32
      %mul3A_133 = arith.constant 160 : i32
      %mul3A_134 = arith.muli %add3A_132, %mul3A_133 : i32
      %dma_wait3A_135 = tpu.memref_slice %arg5[%mul3A_134] : memref<25600xi32, #tpu.memory_space<vmem>> -> memref<160xi32, #tpu.memory_space<vmem>>
      %dma_wait3A_136 = arith.constant 0 : i32
      %dma_wait3A_137 = arith.constant 0 : i32
      %dma_wait3A_138 = tpu.memref_slice %arg2[%dma_wait3A_136, %dma_wait3A_137] : memref<100267x128xf32, #tpu.memory_space<hbm>> -> memref<100267x128xf32, #tpu.memory_space<hbm>>
      tpu.wait_indirect_dma semaphore(%arg14 : memref<!tpu.dma_semaphore, #tpu.memory_space<semaphore_mem>>) src(%dma_wait3A_138 : memref<100267x128xf32, #tpu.memory_space<hbm>>) dst(%arg9 : memref<160x128xf32, #tpu.memory_space<vmem>>)
      %parallel_loop3A_139 = arith.constant 0 : i32
      %parallel_loop3A_140 = arith.constant 160 : i32
      %parallel_loop3A_141 = arith.constant 1 : i32
      scf.for %parallel_loop3A_197 = %parallel_loop3A_139 to %parallel_loop3A_140 step %parallel_loop3A_141  : i32 {
        %parallel_loop3A_198 = arith.index_cast %parallel_loop3A_197 : i32 to index
        %parallel_loop3A_199 = arith.constant 0 : index
        %parallel_loop3A_200 = tpu.vector_load %arg9[%parallel_loop3A_198, %parallel_loop3A_199] {strides = array<i32>} : memref<160x128xf32, #tpu.memory_space<vmem>>, vector<1x16xf32>,
        %parallel_loop3A_201 = vector.shape_cast %parallel_loop3A_200 : vector<1x16xf32> to vector<16xf32>
        %parallel_loop3A_202 = arith.constant 11.3137083 : f32
        %parallel_loop3A_203 = vector.broadcast %parallel_loop3A_202 : f32 to vector<16xf32>
        %parallel_loop3A_204 = arith.mulf %parallel_loop3A_201, %parallel_loop3A_203 : vector<16xf32>
        %parallel_loop3A_205 = arith.index_cast %parallel_loop3A_197 : i32 to index
        %parallel_loop3A_206 = arith.constant 0 : index
        %parallel_loop3A_207 = tpu.vector_load %arg9[%parallel_loop3A_205, %parallel_loop3A_206] {strides = array<i32>} : memref<160x128xf32, #tpu.memory_space<vmem>>, vector<1x16xf32>,
        %parallel_loop3A_208 = vector.shape_cast %parallel_loop3A_207 : vector<1x16xf32> to vector<16xf32>
        %parallel_loop3A_209 = vector.shape_cast %parallel_loop3A_204 : vector<16xf32> to vector<1x16xf32>
        tpu.vector_store %arg9[%parallel_loop3A_205, %parallel_loop3A_206], %parallel_loop3A_209 {strides = array<i32>} : memref<160x128xf32, #tpu.memory_space<vmem>>, vector<1x16xf32>,
        %parallel_loop3A_210 = arith.index_cast %parallel_loop3A_197 : i32 to index
        %parallel_loop3A_211 = arith.constant 16 : index
        %parallel_loop3A_212 = tpu.vector_load %arg9[%parallel_loop3A_210, %parallel_loop3A_211] {strides = array<i32>} : memref<160x128xf32, #tpu.memory_space<vmem>>, vector<1x16xf32>,
        %parallel_loop3A_213 = vector.shape_cast %parallel_loop3A_212 : vector<1x16xf32> to vector<16xf32>
        %parallel_loop3A_214 = arith.constant 11.3137083 : f32
        %parallel_loop3A_215 = vector.broadcast %parallel_loop3A_214 : f32 to vector<16xf32>
        %parallel_loop3A_216 = arith.mulf %parallel_loop3A_213, %parallel_loop3A_215 : vector<16xf32>
        %parallel_loop3A_217 = arith.index_cast %parallel_loop3A_197 : i32 to index
        %parallel_loop3A_218 = arith.constant 16 : index
        %parallel_loop3A_219 = tpu.vector_load %arg9[%parallel_loop3A_217, %parallel_loop3A_218] {strides = array<i32>} : memref<160x128xf32, #tpu.memory_space<vmem>>, vector<1x16xf32>,
        %parallel_loop3A_220 = vector.shape_cast %parallel_loop3A_219 : vector<1x16xf32> to vector<16xf32>
        %parallel_loop3A_221 = vector.shape_cast %parallel_loop3A_216 : vector<16xf32> to vector<1x16xf32>
        tpu.vector_store %arg9[%parallel_loop3A_217, %parallel_loop3A_218], %parallel_loop3A_221 {strides = array<i32>} : memref<160x128xf32, #tpu.memory_space<vmem>>, vector<1x16xf32>,
        %parallel_loop3A_222 = arith.index_cast %parallel_loop3A_197 : i32 to index
        %parallel_loop3A_223 = arith.constant 32 : index
        %parallel_loop3A_224 = tpu.vector_load %arg9[%parallel_loop3A_222, %parallel_loop3A_223] {strides = array<i32>} : memref<160x128xf32, #tpu.memory_space<vmem>>, vector<1x16xf32>,
        %parallel_loop3A_225 = vector.shape_cast %parallel_loop3A_224 : vector<1x16xf32> to vector<16xf32>
        %parallel_loop3A_226 = arith.constant 11.3137083 : f32
        %parallel_loop3A_227 = vector.broadcast %parallel_loop3A_226 : f32 to vector<16xf32>
        %parallel_loop3A_228 = arith.mulf %parallel_loop3A_225, %parallel_loop3A_227 : vector<16xf32>
        %parallel_loop3A_229 = arith.index_cast %parallel_loop3A_197 : i32 to index
        %parallel_loop3A_230 = arith.constant 32 : index
        %parallel_loop3A_231 = tpu.vector_load %arg9[%parallel_loop3A_229, %parallel_loop3A_230] {strides = array<i32>} : memref<160x128xf32, #tpu.memory_space<vmem>>, vector<1x16xf32>,
        %parallel_loop3A_232 = vector.shape_cast %parallel_loop3A_231 : vector<1x16xf32> to vector<16xf32>
        %parallel_loop3A_233 = vector.shape_cast %parallel_loop3A_228 : vector<16xf32> to vector<1x16xf32>
        tpu.vector_store %arg9[%parallel_loop3A_229, %parallel_loop3A_230], %parallel_loop3A_233 {strides = array<i32>} : memref<160x128xf32, #tpu.memory_space<vmem>>, vector<1x16xf32>,
        %parallel_loop3A_234 = arith.index_cast %parallel_loop3A_197 : i32 to index
        %parallel_loop3A_235 = arith.constant 48 : index
        %parallel_loop3A_236 = tpu.vector_load %arg9[%parallel_loop3A_234, %parallel_loop3A_235] {strides = array<i32>} : memref<160x128xf32, #tpu.memory_space<vmem>>, vector<1x16xf32>,
        %parallel_loop3A_237 = vector.shape_cast %parallel_loop3A_236 : vector<1x16xf32> to vector<16xf32>
        %parallel_loop3A_238 = arith.constant 11.3137083 : f32
        %parallel_loop3A_239 = vector.broadcast %parallel_loop3A_238 : f32 to vector<16xf32>
        %parallel_loop3A_240 = arith.mulf %parallel_loop3A_237, %parallel_loop3A_239 : vector<16xf32>
        %parallel_loop3A_241 = arith.index_cast %parallel_loop3A_197 : i32 to index
        %parallel_loop3A_242 = arith.constant 48 : index
        %parallel_loop3A_243 = tpu.vector_load %arg9[%parallel_loop3A_241, %parallel_loop3A_242] {strides = array<i32>} : memref<160x128xf32, #tpu.memory_space<vmem>>, vector<1x16xf32>,
        %parallel_loop3A_244 = vector.shape_cast %parallel_loop3A_243 : vector<1x16xf32> to vector<16xf32>
        %parallel_loop3A_245 = vector.shape_cast %parallel_loop3A_240 : vector<16xf32> to vector<1x16xf32>
        tpu.vector_store %arg9[%parallel_loop3A_241, %parallel_loop3A_242], %parallel_loop3A_245 {strides = array<i32>} : memref<160x128xf32, #tpu.memory_space<vmem>>, vector<1x16xf32>,
        %parallel_loop3A_246 = arith.index_cast %parallel_loop3A_197 : i32 to index
        %parallel_loop3A_247 = arith.constant 64 : index
        %parallel_loop3A_248 = tpu.vector_load %arg9[%parallel_loop3A_246, %parallel_loop3A_247] {strides = array<i32>} : memref<160x128xf32, #tpu.memory_space<vmem>>, vector<1x16xf32>,
        %parallel_loop3A_249 = vector.shape_cast %parallel_loop3A_248 : vector<1x16xf32> to vector<16xf32>
        %parallel_loop3A_250 = arith.constant 11.3137083 : f32
        %parallel_loop3A_251 = vector.broadcast %parallel_loop3A_250 : f32 to vector<16xf32>
        %parallel_loop3A_252 = arith.mulf %parallel_loop3A_249, %parallel_loop3A_251 : vector<16xf32>
        %parallel_loop3A_253 = arith.index_cast %parallel_loop3A_197 : i32 to index
        %parallel_loop3A_254 = arith.constant 64 : index
        %parallel_loop3A_255 = tpu.vector_load %arg9[%parallel_loop3A_253, %parallel_loop3A_254] {strides = array<i32>} : memref<160x128xf32, #tpu.memory_space<vmem>>, vector<1x16xf32>,
        %parallel_loop3A_256 = vector.shape_cast %parallel_loop3A_255 : vector<1x16xf32> to vector<16xf32>
        %parallel_loop3A_257 = vector.shape_cast %parallel_loop3A_252 : vector<16xf32> to vector<1x16xf32>
        tpu.vector_store %arg9[%parallel_loop3A_253, %parallel_loop3A_254], %parallel_loop3A_257 {strides = array<i32>} : memref<160x128xf32, #tpu.memory_space<vmem>>, vector<1x16xf32>,
        %parallel_loop3A_258 = arith.index_cast %parallel_loop3A_197 : i32 to index
        %parallel_loop3A_259 = arith.constant 80 : index
        %parallel_loop3A_260 = tpu.vector_load %arg9[%parallel_loop3A_258, %parallel_loop3A_259] {strides = array<i32>} : memref<160x128xf32, #tpu.memory_space<vmem>>, vector<1x16xf32>,
        %parallel_loop3A_261 = vector.shape_cast %parallel_loop3A_260 : vector<1x16xf32> to vector<16xf32>
        %parallel_loop3A_262 = arith.constant 11.3137083 : f32
        %parallel_loop3A_263 = vector.broadcast %parallel_loop3A_262 : f32 to vector<16xf32>
        %parallel_loop3A_264 = arith.mulf %parallel_loop3A_261, %parallel_loop3A_263 : vector<16xf32>
        %parallel_loop3A_265 = arith.index_cast %parallel_loop3A_197 : i32 to index
        %parallel_loop3A_266 = arith.constant 80 : index
        %parallel_loop3A_267 = tpu.vector_load %arg9[%parallel_loop3A_265, %parallel_loop3A_266] {strides = array<i32>} : memref<160x128xf32, #tpu.memory_space<vmem>>, vector<1x16xf32>,
        %parallel_loop3A_268 = vector.shape_cast %parallel_loop3A_267 : vector<1x16xf32> to vector<16xf32>
        %parallel_loop3A_269 = vector.shape_cast %parallel_loop3A_264 : vector<16xf32> to vector<1x16xf32>
        tpu.vector_store %arg9[%parallel_loop3A_265, %parallel_loop3A_266], %parallel_loop3A_269 {strides = array<i32>} : memref<160x128xf32, #tpu.memory_space<vmem>>, vector<1x16xf32>,
        %parallel_loop3A_270 = arith.index_cast %parallel_loop3A_197 : i32 to index
        %parallel_loop3A_271 = arith.constant 96 : index
        %parallel_loop3A_272 = tpu.vector_load %arg9[%parallel_loop3A_270, %parallel_loop3A_271] {strides = array<i32>} : memref<160x128xf32, #tpu.memory_space<vmem>>, vector<1x16xf32>,
        %parallel_loop3A_273 = vector.shape_cast %parallel_loop3A_272 : vector<1x16xf32> to vector<16xf32>
        %parallel_loop3A_274 = arith.constant 11.3137083 : f32
        %parallel_loop3A_275 = vector.broadcast %parallel_loop3A_274 : f32 to vector<16xf32>
        %parallel_loop3A_276 = arith.mulf %parallel_loop3A_273, %parallel_loop3A_275 : vector<16xf32>
        %parallel_loop3A_277 = arith.index_cast %parallel_loop3A_197 : i32 to index
        %parallel_loop3A_278 = arith.constant 96 : index
        %parallel_loop3A_279 = tpu.vector_load %arg9[%parallel_loop3A_277, %parallel_loop3A_278] {strides = array<i32>} : memref<160x128xf32, #tpu.memory_space<vmem>>, vector<1x16xf32>,
        %parallel_loop3A_280 = vector.shape_cast %parallel_loop3A_279 : vector<1x16xf32> to vector<16xf32>
        %parallel_loop3A_281 = vector.shape_cast %parallel_loop3A_276 : vector<16xf32> to vector<1x16xf32>
        tpu.vector_store %arg9[%parallel_loop3A_277, %parallel_loop3A_278], %parallel_loop3A_281 {strides = array<i32>} : memref<160x128xf32, #tpu.memory_space<vmem>>, vector<1x16xf32>,
        %parallel_loop3A_282 = arith.index_cast %parallel_loop3A_197 : i32 to index
        %parallel_loop3A_283 = arith.constant 112 : index
        %parallel_loop3A_284 = tpu.vector_load %arg9[%parallel_loop3A_282, %parallel_loop3A_283] {strides = array<i32>} : memref<160x128xf32, #tpu.memory_space<vmem>>, vector<1x16xf32>,
        %parallel_loop3A_285 = vector.shape_cast %parallel_loop3A_284 : vector<1x16xf32> to vector<16xf32>
        %parallel_loop3A_286 = arith.constant 11.3137083 : f32
        %parallel_loop3A_287 = vector.broadcast %parallel_loop3A_286 : f32 to vector<16xf32>
        %parallel_loop3A_288 = arith.mulf %parallel_loop3A_285, %parallel_loop3A_287 : vector<16xf32>
        %parallel_loop3A_289 = arith.index_cast %parallel_loop3A_197 : i32 to index
        %parallel_loop3A_290 = arith.constant 112 : index
        %parallel_loop3A_291 = tpu.vector_load %arg9[%parallel_loop3A_289, %parallel_loop3A_290] {strides = array<i32>} : memref<160x128xf32, #tpu.memory_space<vmem>>, vector<1x16xf32>,
        %parallel_loop3A_292 = vector.shape_cast %parallel_loop3A_291 : vector<1x16xf32> to vector<16xf32>
        %parallel_loop3A_293 = vector.shape_cast %parallel_loop3A_288 : vector<16xf32> to vector<1x16xf32>
        tpu.vector_store %arg9[%parallel_loop3A_289, %parallel_loop3A_290], %parallel_loop3A_293 {strides = array<i32>} : memref<160x128xf32, #tpu.memory_space<vmem>>, vector<1x16xf32>,
      } {sc.loop_unroll_factor = 2 : i64, sc.parallel_access}
      %mul3A_142 = arith.constant 160 : i32
      %mul3A_143 = arith.muli %add3A_132, %mul3A_142 : i32
      %add3A_144 = arith.addi %mul3A_2, %mul3A_143 : i32
      %dma_start3A_145 = arith.constant 0 : i32
      %dma_start3A_146 = tpu.memref_slice %arg4[%add3A_144, %dma_start3A_145] : memref<819200x128xf32, #tpu.memory_space<hbm>> -> memref<160x128xf32, #tpu.memory_space<hbm>>
      %dma_start3A_147 = arith.constant 0 : i32
      %dma_start3A_148 = tpu.memref_slice %arg4[%add3A_144, %dma_start3A_147] : memref<819200x128xf32, #tpu.memory_space<hbm>> -> memref<160x128xf32, #tpu.memory_space<hbm>>
      tpu.enqueue_dma source(%arg9 : memref<160x128xf32, #tpu.memory_space<vmem>>) target(%dma_start3A_148 : memref<160x128xf32, #tpu.memory_space<hbm>>) target_semaphore(%arg19 : memref<!tpu.dma_semaphore, #tpu.memory_space<semaphore_mem>>)
      %gt3A_149 = arith.constant 0 : i32
      %gt3A_150 = arith.cmpi sgt, %add3A_132, %gt3A_149 : i32
      %convert_element_type3A_151 = arith.extui %gt3A_150 : i1 to i32
      %cond3A_152 = arith.constant 0 : i32
      %cond3A_153 = arith.cmpi ne, %convert_element_type3A_151, %cond3A_152 : i32
      scf.if %cond3A_153 {
        %sub3A_197 = arith.constant 1 : i32
        %sub3A_198 = arith.subi %add3A_132, %sub3A_197 : i32
        %mul3A_199 = arith.constant 160 : i32
        %mul3A_200 = arith.muli %sub3A_198, %mul3A_199 : i32
        %add3A_201 = arith.addi %mul3A_2, %mul3A_200 : i32
        %dma_wait3A_202 = arith.constant 0 : i32
        %dma_wait3A_203 = tpu.memref_slice %arg4[%add3A_201, %dma_wait3A_202] : memref<819200x128xf32, #tpu.memory_space<hbm>> -> memref<160x128xf32, #tpu.memory_space<hbm>>
        %dma_wait3A_204 = arith.constant 0 : i32
        %dma_wait3A_205 = tpu.memref_slice %arg4[%add3A_201, %dma_wait3A_204] : memref<819200x128xf32, #tpu.memory_space<hbm>> -> memref<160x128xf32, #tpu.memory_space<hbm>>
        tpu.wait_dma2 semaphore(%arg18 : memref<!tpu.dma_semaphore, #tpu.memory_space<semaphore_mem>>) src(%arg8 : memref<160x128xf32, #tpu.memory_space<vmem>>) dst(%dma_wait3A_205 : memref<160x128xf32, #tpu.memory_space<hbm>>)
      } else {
      }
      %add3A_154 = arith.constant 5 : i32
      %add3A_155 = arith.addi %add3A_132, %add3A_154 : i32
      %sub3A_156 = arith.constant 1 : i32
      %sub3A_157 = arith.subi %add3A_155, %sub3A_156 : i32
      %lt3A_158 = arith.constant 160 : i32
      %lt3A_159 = arith.cmpi slt, %sub3A_157, %lt3A_158 : i32
      %convert_element_type3A_160 = arith.extui %lt3A_159 : i1 to i32
      %cond3A_161 = arith.constant 0 : i32
      %cond3A_162 = arith.cmpi ne, %convert_element_type3A_160, %cond3A_161 : i32
      scf.if %cond3A_162 {
        %add3A_197 = arith.constant 5 : i32
        %add3A_198 = arith.addi %add3A_132, %add3A_197 : i32
        %sub3A_199 = arith.constant 1 : i32
        %sub3A_200 = arith.subi %add3A_198, %sub3A_199 : i32
        %mul3A_201 = arith.constant 160 : i32
        %mul3A_202 = arith.muli %sub3A_200, %mul3A_201 : i32
        %dma_start3A_203 = tpu.memref_slice %arg5[%mul3A_202] : memref<25600xi32, #tpu.memory_space<vmem>> -> memref<160xi32, #tpu.memory_space<vmem>>
        %dma_start3A_204 = arith.constant 0 : i32
        %dma_start3A_205 = arith.constant 0 : i32
        %dma_start3A_206 = tpu.memref_slice %arg2[%dma_start3A_204, %dma_start3A_205] : memref<100267x128xf32, #tpu.memory_space<hbm>> -> memref<100267x128xf32, #tpu.memory_space<hbm>>
        tpu.enqueue_indirect_dma source(%dma_start3A_206 : memref<100267x128xf32, #tpu.memory_space<hbm>>) target(%arg8 : memref<160x128xf32, #tpu.memory_space<vmem>>) offsets(%dma_start3A_203 : memref<160xi32, #tpu.memory_space<vmem>>) semaphore(%arg13 : memref<!tpu.dma_semaphore, #tpu.memory_space<semaphore_mem>>)
      } else {
      }
      %mul3A_163 = arith.constant 5 : i32
      %mul3A_164 = arith.muli %scan3A_32, %mul3A_163 : i32
      %add3A_165 = arith.constant 4 : i32
      %add3A_166 = arith.addi %mul3A_164, %add3A_165 : i32
      %mul3A_167 = arith.constant 160 : i32
      %mul3A_168 = arith.muli %add3A_166, %mul3A_167 : i32
      %dma_wait3A_169 = tpu.memref_slice %arg5[%mul3A_168] : memref<25600xi32, #tpu.memory_space<vmem>> -> memref<160xi32, #tpu.memory_space<vmem>>
      %dma_wait3A_170 = arith.constant 0 : i32
      %dma_wait3A_171 = arith.constant 0 : i32
      %dma_wait3A_172 = tpu.memref_slice %arg2[%dma_wait3A_170, %dma_wait3A_171] : memref<100267x128xf32, #tpu.memory_space<hbm>> -> memref<100267x128xf32, #tpu.memory_space<hbm>>
      tpu.wait_indirect_dma semaphore(%arg15 : memref<!tpu.dma_semaphore, #tpu.memory_space<semaphore_mem>>) src(%dma_wait3A_172 : memref<100267x128xf32, #tpu.memory_space<hbm>>) dst(%arg10 : memref<160x128xf32, #tpu.memory_space<vmem>>)
      %parallel_loop3A_173 = arith.constant 0 : i32
      %parallel_loop3A_174 = arith.constant 160 : i32
      %parallel_loop3A_175 = arith.constant 1 : i32
      scf.for %parallel_loop3A_197 = %parallel_loop3A_173 to %parallel_loop3A_174 step %parallel_loop3A_175  : i32 {
        %parallel_loop3A_198 = arith.index_cast %parallel_loop3A_197 : i32 to index
        %parallel_loop3A_199 = arith.constant 0 : index
        %parallel_loop3A_200 = tpu.vector_load %arg10[%parallel_loop3A_198, %parallel_loop3A_199] {strides = array<i32>} : memref<160x128xf32, #tpu.memory_space<vmem>>, vector<1x16xf32>,
        %parallel_loop3A_201 = vector.shape_cast %parallel_loop3A_200 : vector<1x16xf32> to vector<16xf32>
        %parallel_loop3A_202 = arith.constant 11.3137083 : f32
        %parallel_loop3A_203 = vector.broadcast %parallel_loop3A_202 : f32 to vector<16xf32>
        %parallel_loop3A_204 = arith.mulf %parallel_loop3A_201, %parallel_loop3A_203 : vector<16xf32>
        %parallel_loop3A_205 = arith.index_cast %parallel_loop3A_197 : i32 to index
        %parallel_loop3A_206 = arith.constant 0 : index
        %parallel_loop3A_207 = tpu.vector_load %arg10[%parallel_loop3A_205, %parallel_loop3A_206] {strides = array<i32>} : memref<160x128xf32, #tpu.memory_space<vmem>>, vector<1x16xf32>,
        %parallel_loop3A_208 = vector.shape_cast %parallel_loop3A_207 : vector<1x16xf32> to vector<16xf32>
        %parallel_loop3A_209 = vector.shape_cast %parallel_loop3A_204 : vector<16xf32> to vector<1x16xf32>
        tpu.vector_store %arg10[%parallel_loop3A_205, %parallel_loop3A_206], %parallel_loop3A_209 {strides = array<i32>} : memref<160x128xf32, #tpu.memory_space<vmem>>, vector<1x16xf32>,
        %parallel_loop3A_210 = arith.index_cast %parallel_loop3A_197 : i32 to index
        %parallel_loop3A_211 = arith.constant 16 : index
        %parallel_loop3A_212 = tpu.vector_load %arg10[%parallel_loop3A_210, %parallel_loop3A_211] {strides = array<i32>} : memref<160x128xf32, #tpu.memory_space<vmem>>, vector<1x16xf32>,
        %parallel_loop3A_213 = vector.shape_cast %parallel_loop3A_212 : vector<1x16xf32> to vector<16xf32>
        %parallel_loop3A_214 = arith.constant 11.3137083 : f32
        %parallel_loop3A_215 = vector.broadcast %parallel_loop3A_214 : f32 to vector<16xf32>
        %parallel_loop3A_216 = arith.mulf %parallel_loop3A_213, %parallel_loop3A_215 : vector<16xf32>
        %parallel_loop3A_217 = arith.index_cast %parallel_loop3A_197 : i32 to index
        %parallel_loop3A_218 = arith.constant 16 : index
        %parallel_loop3A_219 = tpu.vector_load %arg10[%parallel_loop3A_217, %parallel_loop3A_218] {strides = array<i32>} : memref<160x128xf32, #tpu.memory_space<vmem>>, vector<1x16xf32>,
        %parallel_loop3A_220 = vector.shape_cast %parallel_loop3A_219 : vector<1x16xf32> to vector<16xf32>
        %parallel_loop3A_221 = vector.shape_cast %parallel_loop3A_216 : vector<16xf32> to vector<1x16xf32>
        tpu.vector_store %arg10[%parallel_loop3A_217, %parallel_loop3A_218], %parallel_loop3A_221 {strides = array<i32>} : memref<160x128xf32, #tpu.memory_space<vmem>>, vector<1x16xf32>,
        %parallel_loop3A_222 = arith.index_cast %parallel_loop3A_197 : i32 to index
        %parallel_loop3A_223 = arith.constant 32 : index
        %parallel_loop3A_224 = tpu.vector_load %arg10[%parallel_loop3A_222, %parallel_loop3A_223] {strides = array<i32>} : memref<160x128xf32, #tpu.memory_space<vmem>>, vector<1x16xf32>,
        %parallel_loop3A_225 = vector.shape_cast %parallel_loop3A_224 : vector<1x16xf32> to vector<16xf32>
        %parallel_loop3A_226 = arith.constant 11.3137083 : f32
        %parallel_loop3A_227 = vector.broadcast %parallel_loop3A_226 : f32 to vector<16xf32>
        %parallel_loop3A_228 = arith.mulf %parallel_loop3A_225, %parallel_loop3A_227 : vector<16xf32>
        %parallel_loop3A_229 = arith.index_cast %parallel_loop3A_197 : i32 to index
        %parallel_loop3A_230 = arith.constant 32 : index
        %parallel_loop3A_231 = tpu.vector_load %arg10[%parallel_loop3A_229, %parallel_loop3A_230] {strides = array<i32>} : memref<160x128xf32, #tpu.memory_space<vmem>>, vector<1x16xf32>,
        %parallel_loop3A_232 = vector.shape_cast %parallel_loop3A_231 : vector<1x16xf32> to vector<16xf32>
        %parallel_loop3A_233 = vector.shape_cast %parallel_loop3A_228 : vector<16xf32> to vector<1x16xf32>
        tpu.vector_store %arg10[%parallel_loop3A_229, %parallel_loop3A_230], %parallel_loop3A_233 {strides = array<i32>} : memref<160x128xf32, #tpu.memory_space<vmem>>, vector<1x16xf32>,
        %parallel_loop3A_234 = arith.index_cast %parallel_loop3A_197 : i32 to index
        %parallel_loop3A_235 = arith.constant 48 : index
        %parallel_loop3A_236 = tpu.vector_load %arg10[%parallel_loop3A_234, %parallel_loop3A_235] {strides = array<i32>} : memref<160x128xf32, #tpu.memory_space<vmem>>, vector<1x16xf32>,
        %parallel_loop3A_237 = vector.shape_cast %parallel_loop3A_236 : vector<1x16xf32> to vector<16xf32>
        %parallel_loop3A_238 = arith.constant 11.3137083 : f32
        %parallel_loop3A_239 = vector.broadcast %parallel_loop3A_238 : f32 to vector<16xf32>
        %parallel_loop3A_240 = arith.mulf %parallel_loop3A_237, %parallel_loop3A_239 : vector<16xf32>
        %parallel_loop3A_241 = arith.index_cast %parallel_loop3A_197 : i32 to index
        %parallel_loop3A_242 = arith.constant 48 : index
        %parallel_loop3A_243 = tpu.vector_load %arg10[%parallel_loop3A_241, %parallel_loop3A_242] {strides = array<i32>} : memref<160x128xf32, #tpu.memory_space<vmem>>, vector<1x16xf32>,
        %parallel_loop3A_244 = vector.shape_cast %parallel_loop3A_243 : vector<1x16xf32> to vector<16xf32>
        %parallel_loop3A_245 = vector.shape_cast %parallel_loop3A_240 : vector<16xf32> to vector<1x16xf32>
        tpu.vector_store %arg10[%parallel_loop3A_241, %parallel_loop3A_242], %parallel_loop3A_245 {strides = array<i32>} : memref<160x128xf32, #tpu.memory_space<vmem>>, vector<1x16xf32>,
        %parallel_loop3A_246 = arith.index_cast %parallel_loop3A_197 : i32 to index
        %parallel_loop3A_247 = arith.constant 64 : index
        %parallel_loop3A_248 = tpu.vector_load %arg10[%parallel_loop3A_246, %parallel_loop3A_247] {strides = array<i32>} : memref<160x128xf32, #tpu.memory_space<vmem>>, vector<1x16xf32>,
        %parallel_loop3A_249 = vector.shape_cast %parallel_loop3A_248 : vector<1x16xf32> to vector<16xf32>
        %parallel_loop3A_250 = arith.constant 11.3137083 : f32
        %parallel_loop3A_251 = vector.broadcast %parallel_loop3A_250 : f32 to vector<16xf32>
        %parallel_loop3A_252 = arith.mulf %parallel_loop3A_249, %parallel_loop3A_251 : vector<16xf32>
        %parallel_loop3A_253 = arith.index_cast %parallel_loop3A_197 : i32 to index
        %parallel_loop3A_254 = arith.constant 64 : index
        %parallel_loop3A_255 = tpu.vector_load %arg10[%parallel_loop3A_253, %parallel_loop3A_254] {strides = array<i32>} : memref<160x128xf32, #tpu.memory_space<vmem>>, vector<1x16xf32>,
        %parallel_loop3A_256 = vector.shape_cast %parallel_loop3A_255 : vector<1x16xf32> to vector<16xf32>
        %parallel_loop3A_257 = vector.shape_cast %parallel_loop3A_252 : vector<16xf32> to vector<1x16xf32>
        tpu.vector_store %arg10[%parallel_loop3A_253, %parallel_loop3A_254], %parallel_loop3A_257 {strides = array<i32>} : memref<160x128xf32, #tpu.memory_space<vmem>>, vector<1x16xf32>,
        %parallel_loop3A_258 = arith.index_cast %parallel_loop3A_197 : i32 to index
        %parallel_loop3A_259 = arith.constant 80 : index
        %parallel_loop3A_260 = tpu.vector_load %arg10[%parallel_loop3A_258, %parallel_loop3A_259] {strides = array<i32>} : memref<160x128xf32, #tpu.memory_space<vmem>>, vector<1x16xf32>,
        %parallel_loop3A_261 = vector.shape_cast %parallel_loop3A_260 : vector<1x16xf32> to vector<16xf32>
        %parallel_loop3A_262 = arith.constant 11.3137083 : f32
        %parallel_loop3A_263 = vector.broadcast %parallel_loop3A_262 : f32 to vector<16xf32>
        %parallel_loop3A_264 = arith.mulf %parallel_loop3A_261, %parallel_loop3A_263 : vector<16xf32>
        %parallel_loop3A_265 = arith.index_cast %parallel_loop3A_197 : i32 to index
        %parallel_loop3A_266 = arith.constant 80 : index
        %parallel_loop3A_267 = tpu.vector_load %arg10[%parallel_loop3A_265, %parallel_loop3A_266] {strides = array<i32>} : memref<160x128xf32, #tpu.memory_space<vmem>>, vector<1x16xf32>,
        %parallel_loop3A_268 = vector.shape_cast %parallel_loop3A_267 : vector<1x16xf32> to vector<16xf32>
        %parallel_loop3A_269 = vector.shape_cast %parallel_loop3A_264 : vector<16xf32> to vector<1x16xf32>
        tpu.vector_store %arg10[%parallel_loop3A_265, %parallel_loop3A_266], %parallel_loop3A_269 {strides = array<i32>} : memref<160x128xf32, #tpu.memory_space<vmem>>, vector<1x16xf32>,
        %parallel_loop3A_270 = arith.index_cast %parallel_loop3A_197 : i32 to index
        %parallel_loop3A_271 = arith.constant 96 : index
        %parallel_loop3A_272 = tpu.vector_load %arg10[%parallel_loop3A_270, %parallel_loop3A_271] {strides = array<i32>} : memref<160x128xf32, #tpu.memory_space<vmem>>, vector<1x16xf32>,
        %parallel_loop3A_273 = vector.shape_cast %parallel_loop3A_272 : vector<1x16xf32> to vector<16xf32>
        %parallel_loop3A_274 = arith.constant 11.3137083 : f32
        %parallel_loop3A_275 = vector.broadcast %parallel_loop3A_274 : f32 to vector<16xf32>
        %parallel_loop3A_276 = arith.mulf %parallel_loop3A_273, %parallel_loop3A_275 : vector<16xf32>
        %parallel_loop3A_277 = arith.index_cast %parallel_loop3A_197 : i32 to index
        %parallel_loop3A_278 = arith.constant 96 : index
        %parallel_loop3A_279 = tpu.vector_load %arg10[%parallel_loop3A_277, %parallel_loop3A_278] {strides = array<i32>} : memref<160x128xf32, #tpu.memory_space<vmem>>, vector<1x16xf32>,
        %parallel_loop3A_280 = vector.shape_cast %parallel_loop3A_279 : vector<1x16xf32> to vector<16xf32>
        %parallel_loop3A_281 = vector.shape_cast %parallel_loop3A_276 : vector<16xf32> to vector<1x16xf32>
        tpu.vector_store %arg10[%parallel_loop3A_277, %parallel_loop3A_278], %parallel_loop3A_281 {strides = array<i32>} : memref<160x128xf32, #tpu.memory_space<vmem>>, vector<1x16xf32>,
        %parallel_loop3A_282 = arith.index_cast %parallel_loop3A_197 : i32 to index
        %parallel_loop3A_283 = arith.constant 112 : index
        %parallel_loop3A_284 = tpu.vector_load %arg10[%parallel_loop3A_282, %parallel_loop3A_283] {strides = array<i32>} : memref<160x128xf32, #tpu.memory_space<vmem>>, vector<1x16xf32>,
        %parallel_loop3A_285 = vector.shape_cast %parallel_loop3A_284 : vector<1x16xf32> to vector<16xf32>
        %parallel_loop3A_286 = arith.constant 11.3137083 : f32
        %parallel_loop3A_287 = vector.broadcast %parallel_loop3A_286 : f32 to vector<16xf32>
        %parallel_loop3A_288 = arith.mulf %parallel_loop3A_285, %parallel_loop3A_287 : vector<16xf32>
        %parallel_loop3A_289 = arith.index_cast %parallel_loop3A_197 : i32 to index
        %parallel_loop3A_290 = arith.constant 112 : index
        %parallel_loop3A_291 = tpu.vector_load %arg10[%parallel_loop3A_289, %parallel_loop3A_290] {strides = array<i32>} : memref<160x128xf32, #tpu.memory_space<vmem>>, vector<1x16xf32>,
        %parallel_loop3A_292 = vector.shape_cast %parallel_loop3A_291 : vector<1x16xf32> to vector<16xf32>
        %parallel_loop3A_293 = vector.shape_cast %parallel_loop3A_288 : vector<16xf32> to vector<1x16xf32>
        tpu.vector_store %arg10[%parallel_loop3A_289, %parallel_loop3A_290], %parallel_loop3A_293 {strides = array<i32>} : memref<160x128xf32, #tpu.memory_space<vmem>>, vector<1x16xf32>,
      } {sc.loop_unroll_factor = 2 : i64, sc.parallel_access}
      %mul3A_176 = arith.constant 160 : i32
      %mul3A_177 = arith.muli %add3A_166, %mul3A_176 : i32
      %add3A_178 = arith.addi %mul3A_2, %mul3A_177 : i32
      %dma_start3A_179 = arith.constant 0 : i32
      %dma_start3A_180 = tpu.memref_slice %arg4[%add3A_178, %dma_start3A_179] : memref<819200x128xf32, #tpu.memory_space<hbm>> -> memref<160x128xf32, #tpu.memory_space<hbm>>
      %dma_start3A_181 = arith.constant 0 : i32
      %dma_start3A_182 = tpu.memref_slice %arg4[%add3A_178, %dma_start3A_181] : memref<819200x128xf32, #tpu.memory_space<hbm>> -> memref<160x128xf32, #tpu.memory_space<hbm>>
      tpu.enqueue_dma source(%arg10 : memref<160x128xf32, #tpu.memory_space<vmem>>) target(%dma_start3A_182 : memref<160x128xf32, #tpu.memory_space<hbm>>) target_semaphore(%arg20 : memref<!tpu.dma_semaphore, #tpu.memory_space<semaphore_mem>>)
      %gt3A_183 = arith.constant 0 : i32
      %gt3A_184 = arith.cmpi sgt, %add3A_166, %gt3A_183 : i32
      %convert_element_type3A_185 = arith.extui %gt3A_184 : i1 to i32
      %cond3A_186 = arith.constant 0 : i32
      %cond3A_187 = arith.cmpi ne, %convert_element_type3A_185, %cond3A_186 : i32
      scf.if %cond3A_187 {
        %sub3A_197 = arith.constant 1 : i32
        %sub3A_198 = arith.subi %add3A_166, %sub3A_197 : i32
        %mul3A_199 = arith.constant 160 : i32
        %mul3A_200 = arith.muli %sub3A_198, %mul3A_199 : i32
        %add3A_201 = arith.addi %mul3A_2, %mul3A_200 : i32
        %dma_wait3A_202 = arith.constant 0 : i32
        %dma_wait3A_203 = tpu.memref_slice %arg4[%add3A_201, %dma_wait3A_202] : memref<819200x128xf32, #tpu.memory_space<hbm>> -> memref<160x128xf32, #tpu.memory_space<hbm>>
        %dma_wait3A_204 = arith.constant 0 : i32
        %dma_wait3A_205 = tpu.memref_slice %arg4[%add3A_201, %dma_wait3A_204] : memref<819200x128xf32, #tpu.memory_space<hbm>> -> memref<160x128xf32, #tpu.memory_space<hbm>>
        tpu.wait_dma2 semaphore(%arg19 : memref<!tpu.dma_semaphore, #tpu.memory_space<semaphore_mem>>) src(%arg9 : memref<160x128xf32, #tpu.memory_space<vmem>>) dst(%dma_wait3A_205 : memref<160x128xf32, #tpu.memory_space<hbm>>)
      } else {
      }
      %add3A_188 = arith.constant 5 : i32
      %add3A_189 = arith.addi %add3A_166, %add3A_188 : i32
      %sub3A_190 = arith.constant 1 : i32
      %sub3A_191 = arith.subi %add3A_189, %sub3A_190 : i32
      %lt3A_192 = arith.constant 160 : i32
      %lt3A_193 = arith.cmpi slt, %sub3A_191, %lt3A_192 : i32
      %convert_element_type3A_194 = arith.extui %lt3A_193 : i1 to i32
      %cond3A_195 = arith.constant 0 : i32
      %cond3A_196 = arith.cmpi ne, %convert_element_type3A_194, %cond3A_195 : i32
      scf.if %cond3A_196 {
        %add3A_197 = arith.constant 5 : i32
        %add3A_198 = arith.addi %add3A_166, %add3A_197 : i32
        %sub3A_199 = arith.constant 1 : i32
        %sub3A_200 = arith.subi %add3A_198, %sub3A_199 : i32
        %mul3A_201 = arith.constant 160 : i32
        %mul3A_202 = arith.muli %sub3A_200, %mul3A_201 : i32
        %dma_start3A_203 = tpu.memref_slice %arg5[%mul3A_202] : memref<25600xi32, #tpu.memory_space<vmem>> -> memref<160xi32, #tpu.memory_space<vmem>>
        %dma_start3A_204 = arith.constant 0 : i32
        %dma_start3A_205 = arith.constant 0 : i32
        %dma_start3A_206 = tpu.memref_slice %arg2[%dma_start3A_204, %dma_start3A_205] : memref<100267x128xf32, #tpu.memory_space<hbm>> -> memref<100267x128xf32, #tpu.memory_space<hbm>>
        tpu.enqueue_indirect_dma source(%dma_start3A_206 : memref<100267x128xf32, #tpu.memory_space<hbm>>) target(%arg9 : memref<160x128xf32, #tpu.memory_space<vmem>>) offsets(%dma_start3A_203 : memref<160xi32, #tpu.memory_space<vmem>>) semaphore(%arg14 : memref<!tpu.dma_semaphore, #tpu.memory_space<semaphore_mem>>)
      } else {
      }
    }
    %scan3A_26 = arith.constant 32 : i32
    %add3A_27 = arith.constant 25440 : i32
    %add3A_28 = arith.addi %mul3A_2, %add3A_27 : i32
    %dma_wait3A = arith.constant 0 : i32
    %dma_wait3A_29 = tpu.memref_slice %arg4[%add3A_28, %dma_wait3A] : memref<819200x128xf32, #tpu.memory_space<hbm>> -> memref<160x128xf32, #tpu.memory_space<hbm>>
    %dma_wait3A_30 = arith.constant 0 : i32
    %dma_wait3A_31 = tpu.memref_slice %arg4[%add3A_28, %dma_wait3A_30] : memref<819200x128xf32, #tpu.memory_space<hbm>> -> memref<160x128xf32, #tpu.memory_space<hbm>>
    tpu.wait_dma2 semaphore(%arg20 : memref<!tpu.dma_semaphore, #tpu.memory_space<semaphore_mem>>) src(%arg10 : memref<160x128xf32, #tpu.memory_space<vmem>>) dst(%dma_wait3A_31 : memref<160x128xf32, #tpu.memory_space<hbm>>)
    return
  }
}

</mosaic_0001>

<sc_bundles>
// kernel: kernel.3.cloned.1.call-start
scs
__scs_entry_jumppad:
0x0: {  	(pc) =	sbr.rel $0x88, $3  }
0x1: {  	(tag) =	ssettag $0x0;
	lr =	simm.s32 $0x1  }
0x2: {  	[smem:$0x3F9F] =	sst lr;
	_ =	strace $0xD0000000  }
0x3: {  	_ = 	snop  }
0x4: {  	_ = 	snop  }
0x5: {  	_ = 	snop  }
0x6: {  	_ = 	snop  }
0x7: {  	_ = 	snop  }
__scs_overlays_trampoline_lowered:
0x8: {  	[smem:$0x3FAE] =	sst s0  }
0x9: {  	[smem:$0x3FAF] =	sst s1  }
0xa: {  	[smem:$0x3FB0] =	sst s2  }
0xb: {  	[smem:$0x3FB1] =	sst s3  }
0xc: {  	[smem:$0x3FB2] =	sst s4  }
0xd: {  	[smem:$0x3FB3] =	sst s5  }
0xe: {  	[smem:$0x3FB4] =	sst s6  }
0xf: {  	[smem:$0x3FB5] =	sst s7  }
0x10: {  	[smem:$0x3FB6] =	sst s8  }
0x11: {  	[smem:$0x3FB7] =	sst s9;
	s0 =	simm.s32 @!p0 $0x0  }
0x12: {  	s1 =	sld [smem:$0x3F9D];
	s0 =	simm.s32 @p0 $0x1  }
0x13: {  	[smem:$0x3FB8] =	sst s0;
	s0 =	simm.s32 @!p1 $0x0  }
0x14: {  	s2 =	sld [smem:$0x3F9C];
	s0 =	simm.s32 @p1 $0x1  }
0x15: {  	[smem:$0x3FB9] =	sst s0;
	s0 =	simm.s32 @!p2 $0x0  }
0x16: {  	s3 =	sld [smem:$0x3FDB];
	s0 =	simm.s32 @p2 $0x1  }
0x17: {  	s4 =	simm.s32 $0x1BF5;
	[smem:$0x3FBB] =	sst s0  }
0x18: {  	s0 =	sld [smem:$0x3F9E];
	_ =	swait.ge [sflag:s4], $0x0  }
0x19: {  	s7 =	sld [smem:$0x3F9F]  }
0x1a: {  	s8 =	sadd.s32 $0xFFFFE003, lr  }
0x1b: {  	s9 =	sadd.s32 $0xFFFFFEF7, lr;
	s5 =	simm.s32 $0xFFFFFFFF;
	p2 =	slt.u32 s8, $0xFFFFF086  }
0x1c: {  	p1 =	slt.u32 s9, $0xF7A;
	s5 =	simm.s32 @!p2 $0x0  }
0x1d: {  	s5 =	simm.s32 @p1 $0x1;
	p0 =	seq.s32 s7, s2  }
0x1e: {  	s7 =	smul.u32 @!p0 $0xF7A, s2;
	p2 =	seq.s32 @!p0 s5, $0x0  }
0x1f: {  	s9 =	smul.u32 $0xF7A, s1;
	s8 =	simm.s32 @!p0 $0x1BF5;
	p2 =	por !p2, p0  }
0x20: {  	[sflag:s8] =	ssyncset.s32 @!p0 $0xFFFFF086;
	s6 =	sadd.s32 @!p0 s3, s7;
	s7 =	simm.s32 @!p0 $0x108  }
0x21: {  	s3 =	sadd.s32 s3, s9;
	s6 =	sadd.s32 @!p0 $0x88, s6;
	s7 =	simm.s32 @p2 $0x1082  }
0x22: {  	[simem:s7], [sflag:s8] =	dma.local @!p0 [hbm:s6], $0xF7A  }
0x23: {  	s9 =	sor.u32 $0xD0000000, s2;
	s6 =	simm.s32 $0x108;
	_ =	swait.ge @!p0 [sflag:s8], $0x0  }
0x24: {  	s3 =	sadd.s32 $0x88, s3;
	s6 =	simm.s32 @!p1 $0x1082;
	[sflag:s4] =	ssyncset.s32 $0xFFFFF086  }
0x25: {  	[simem:s6], [sflag:s4] =	dma.local [hbm:s3], $0xF7A  }
0x26: {  	[smem:$0x3F9F] =	sst s1;
	(tag) =	ssettag s2;
	_ =	strace s9  }
0x27: {  	s1 =	sld [smem:$0x3FAF]  }
0x28: {  	s2 =	sld [smem:$0x3FB0]  }
0x29: {  	s4 =	sld [smem:$0x3FB2]  }
0x2a: {  	p0 =	seq.s32 s5, $0x0;
	s5 =	sld [smem:$0x3FB3]  }
0x2b: {  	s6 =	sld [smem:$0x3FB4]  }
0x2c: {  	s7 =	sld [smem:$0x3FB5]  }
0x2d: {  	s3 =	simm.s32 $0x108;
	s8 =	sld [smem:$0x3FB6]  }
0x2e: {  	s3 =	simm.s32 @!p0 $0x1082;
	s9 =	sld [smem:$0x3FB7]  }
0x2f: {  	lr =	sadd.s32 s0, s3;
	s0 =	sld [smem:$0x3FAE]  }
0x30: {  	s3 =	sld [smem:$0x3FB1]  }
0x31: {  	[smem:$0x3FBA] =	sst s10  }
0x32: {  	s10 =	sld [smem:$0x3FB8];
	_ =	sdelay $0x3  }
0x33: {  	p0 =	seq.s32 s10, $0x1;
	s10 =	sld [smem:$0x3FBA];
	_ =	sdelay $0x3  }
0x34: {  	[smem:$0x3FBA] =	sst s10  }
0x35: {  	s10 =	sld [smem:$0x3FB9];
	_ =	sdelay $0x3  }
0x36: {  	p1 =	seq.s32 s10, $0x1;
	s10 =	sld [smem:$0x3FBA];
	_ =	sdelay $0x3  }
0x37: {  	[smem:$0x3FBA] =	sst s10  }
0x38: {  	s10 =	sld [smem:$0x3FBB]  }
0x39: {  	_ = 	snop;
	(pc) =	sbr.ind lr, $3  }
0x3a: {  	_ = 	snop  }
0x3b: {  	_ = 	snop  }
0x3c: {  	p2 =	seq.s32 s10, $0x1;
	s10 =	sld [smem:$0x3FBA]  }
0x3d: {  	_ =	shalt  }
0x3e: {  	_ =	shalt  }
0x3f: {  	_ =	shalt  }
0x40: {  	_ =	shalt  }
0x41: {  	_ =	shalt  }
0x42: {  	_ =	shalt  }
0x43: {  	_ =	shalt  }
0x44: {  	_ =	shalt  }
0x45: {  	_ =	shalt  }
0x46: {  	_ =	shalt  }
0x47: {  	_ =	shalt  }
0x48: {  	_ =	shalt  }
0x49: {  	_ =	shalt  }
0x4a: {  	_ =	shalt  }
0x4b: {  	_ =	shalt  }
0x4c: {  	_ =	shalt  }
0x4d: {  	_ =	shalt  }
0x4e: {  	_ =	shalt  }
0x4f: {  	_ =	shalt  }
0x50: {  	_ =	shalt  }
0x51: {  	_ =	shalt  }
0x52: {  	_ =	shalt  }
0x53: {  	_ =	shalt  }
0x54: {  	_ =	shalt  }
0x55: {  	_ =	shalt  }
0x56: {  	_ =	shalt  }
0x57: {  	_ =	shalt  }
0x58: {  	_ =	shalt  }
0x59: {  	_ =	shalt  }
0x5a: {  	_ =	shalt  }
0x5b: {  	_ =	shalt  }
0x5c: {  	_ =	shalt  }
0x5d: {  	_ =	shalt  }
0x5e: {  	_ =	shalt  }
0x5f: {  	_ =	shalt  }
0x60: {  	_ =	shalt  }
0x61: {  	_ =	shalt  }
0x62: {  	_ =	shalt  }
0x63: {  	_ =	shalt  }
0x64: {  	_ =	shalt  }
0x65: {  	_ =	shalt  }
0x66: {  	_ =	shalt  }
0x67: {  	_ =	shalt  }
0x68: {  	_ =	shalt  }
0x69: {  	_ =	shalt  }
0x6a: {  	_ =	shalt  }
0x6b: {  	_ =	shalt  }
0x6c: {  	_ =	shalt  }
0x6d: {  	_ =	shalt  }
0x6e: {  	_ =	shalt  }
0x6f: {  	_ =	shalt  }
0x70: {  	_ =	shalt  }
0x71: {  	_ =	shalt  }
0x72: {  	_ =	shalt  }
0x73: {  	_ =	shalt  }
0x74: {  	_ =	shalt  }
0x75: {  	_ =	shalt  }
0x76: {  	_ =	shalt  }
0x77: {  	_ =	shalt  }
0x78: {  	_ =	shalt  }
0x79: {  	_ =	shalt  }
0x7a: {  	_ =	shalt  }
0x7b: {  	_ =	shalt  }
0x7c: {  	_ =	shalt  }
0x7d: {  	_ =	shalt  }
0x7e: {  	_ =	shalt  }
0x7f: {  	_ =	shalt  }
0x80: {  	_ =	shalt  }
0x81: {  	_ =	shalt  }
0x82: {  	_ =	shalt  }
0x83: {  	_ =	shalt  }
0x84: {  	_ =	shalt  }
0x85: {  	_ =	shalt  }
0x86: {  	_ =	shalt  }
0x87: {  	_ =	shalt  }
.Lfunc_end0:
.L_simem_size_0:
called_computation_lowered:
.L_overlay_start_0:
0x88: {  	s2 =	sld [smem:$0x3FD9]  }
0x89: {  	s3 =	sld [smem:$0x3FFE];
	_ =	sdelay $0x1  }
0x8a: {  	s1 =	srdreg.scid  }
0x8b: {  	s0 =	sand.u32 $0x1, s1  }
0x8c: {  	s17 =	sshll.u32 s0, $0xA;
	s2 =	sadd.s32 s3, s2  }
0x8d: {  	s2 =	sadd.s32 s2, s17  }
0x8e: {  	[smem:$0x3FC6] =	sst s2  }
0x8f: {  	_ = 	snop  }
0x90: {  	s2 =	sld [smem:$0x3FC8]  }
0x91: {  	s18 =	sld [smem:$0x3FD0];
	(tm) =	ssettm $0x1  }
0x92: {  	s4 =	sld [smem:$0x3FFB];
	_ =	sdelay $0x3  }
0x93: {  	_ =	strace s4  }
0x94: {  	s4 =	sld [smem:$0x3FFC];
	_ =	sdelay $0x3  }
0x95: {  	_ =	strace s4  }
0x96: {  	s4 =	sld [smem:$0x3FFD];
	_ =	sdelay $0x3  }
0x97: {  	_ =	strace s4  }
0x98: {  	_ =	strace $0x8FFFFFFF  }
0x99: {  	s19 =	sld [smem:$0x3FDB];
	_ =	sdelay $0x1  }
0x9a: {  	s5 =	simm.s32 $_scs_section_size  }
0x9b: {  	s6 =	simm.s32 $_size__tile_overlayer_lowered;
	s7 =	simm.s32 $_tile_overlayer_lowered  }
0x9c: {  	s22 =	simm.s32 $0x1BFF;
	s21 =	sshll.u32 s7, $0x1;
	s4 =	sadd.s32 s5, s19  }
0x9d: {  	s8 =	simm.s32 $0x0;
	s20 =	sshll.u32 s6, $0x1;
	s6 =	sadd.s32 s21, s4  }
0x9e: {  	[timem:s8], [sflag:s22] =	dma.local [hbm:s6], s20  }
0x9f: {  	_ =	swait.ge [sflag:s22], s20  }
0xa0: {  	s5 =	ssub.s32 $0x0, s20;
	[sflag:s22] =	ssyncset.done $0x0  }
0xa1: {  	[sflag:s22] =	ssyncadd.s32 s5;
	_ =	sdelay $0x1  }
0xa2: {  	s23 =	simm.s32 $0x1B8B  }
0xa3: {  	_ =	swait.ge [sflag:s23], $0x1  }
0xa4: {  	[sflag:s23] =	ssyncset.done $0x0  }
0xa5: {  	s25 =	simm.s32 $0x1B8E;
	s24 =	sld [smem:$0x3FFE];
	[sflag:s23] =	ssyncadd.s32 $0xFFFFFFFF  }
0xa6: {  	s26 =	simm.s32 $execute0_lowered;
	[smem:$0x3FD2] =	sst s25  }
0xa7: {  	s6 =	sshll.u32 s26, $0x1;
	_ =	strace $0x80000046;
	[dreg:$0x1] =	wrdreg $0xFFFFFFFF  }
0xa8: {  	s28 =	simm.s32 $_size_execute0_lowered;
	s4 =	sadd.s32 s4, s6;
	[dreg:$0x0] =	wrdreg $0x0  }
0xa9: {  	s6 =	sshll.u32 s28, $0x1;
	[dreg:$0x2] =	wrdreg s4  }
0xaa: {  	[dreg:$0x3] =	wrdreg s6  }
0xab: {  	[dreg:$0x4] =	wrdreg $0xC0  }
0xac: {  	_ =	task [dreg:s8], $0x5FFFF  }
0xad: {  	[dreg:$0x1] =	wrdreg $0xFFFFFFFF  }
0xae: {  	[dreg:$0x0] =	wrdreg $0x60  }
0xaf: {  	[dreg:$0x2] =	wrdreg s2  }
0xb0: {  	[dreg:$0x3] =	wrdreg s24  }
0xb1: {  	[dreg:$0x4] =	wrdreg s18  }
0xb2: {  	[dreg:$0x5] =	wrdreg $0x9  }
0xb3: {  	_ =	task.clear_ibuf [dreg:s8], $0x6FFFF;
	_ =	strace $0x90000046  }
0xb4: {  	s29 =	simm.s32 $0x9;
	_ =	strace $0x80000048  }
0xb5: {  	_ =	swait.ge [sflag:s29], $0x1  }
0xb6: {  	[sflag:s29] =	ssyncadd.s32 $0xFFFFFFFF  }
0xb7: {  	_ =	strace $0x90000048  }
0xb8: {  	_ =	sfence  }
0xb9: {  	s30 =	sld [smem:$0x0];
	_ =	sdelay $0x2  }
0xba: {  	s31 =	sshll.u32 s1, $0xD;
	s1 =	sshrl.u32 s1, $0x2  }
0xbb: {  	s3 =	sand.u32 $0x4000, s31;
	s1 =	sadd.s32 s1, s30  }
0xbc: {  	s0 =	sor.u32 s3, s0;
	s1 =	sshll.u32 s1, $0x11  }
0xbd: {  	s0 =	sor.u32 s1, s0  }
0xbe: {  	s0 =	sadd.s32 $0x8F2B, s0  }
0xbf: {  	[sflag:s0] =	ssyncadd.remote.s32 $0x1  }
0xc0: {  	_ =	sfence.sel $0xFFFF  }
0xc1: {  	[dreg:$0x0] =	wrdreg $0xFFFFFFFF;
	(pc) =	sbr.abs _section_cstart, $3  }
0xc2: {  	[dreg:$0x1] =	wrdreg $0xFFFFFFFF  }
0xc3: {  	_ =	task.clear_ibuf [dreg:s8], $0x2FFFF;
	_ =	strace $0x9FFFFFFF  }
0xc4: {  	(tm) =	ssettm $0x7FFFFFFF  }
0xc5: {  	_ =	shalt  }
tec
execute0_lowered:
.L_overlay_start_1:
0x0: {  	(tag) =	ssettag $0x1  }
0x1: {  	s1 =	rddreg [dreg:$0x0]  }
0x2: {  	s0 =	srdreg.scid;
	s6 =	rddreg [dreg:$0x1]  }
0x3: {  	s2 =	stileid.u32;
	s3 =	rddreg [dreg:$0x2];
	s5 =	simm.s32 $0x0  }
0x4: {  	s12 =	simm.s32 $0xA0;
	s13 =	simm.s32 $0x6400;
	s14 =	simm.s32 $0xB400  }
0x5: {  	s16 =	simm.s32 $0x10400;
	s18 =	simm.s32 $0x15400;
	s19 =	simm.s32 $0x1  }
0x6: {  	s20 =	simm.s32 $0x1A400;
	s21 =	simm.s32 $0x2;
	s22 =	simm.s32 $0x6  }
0x7: {  	s23 =	simm.s32 $0x3;
	s24 =	simm.s32 $0x7;
	s25 =	simm.s32 $0x4  }
0x8: {  	s28 =	simm.s32 $0x5;
	s0 =	sand.u32 $0x1, s0;
	s2 =	sshll.u32 s2, $0x1  }
0x9: {  	s29 =	simm.s32 $0x9;
	s30 =	simm.s32 $0xA;
	s2 =	sor.u32 s0, s2  }
0xa: {  	s31 =	simm.s32 $0x0;
	s0 =	ssub.s32 $0x2, s0;
	s4 =	smul.u32 $0x6400, s2  }
.Ltmp0:
0xb: {  	[smem:$0x7FF] =	sst s5;
	s26 =	sshrl.u32 s0, $0x1;
	(pc) =	sbr.rel .LBB2_1-.Ltmp0, $4  }
0xc: {  	_ =	strace $0x80000047;
	s0 =	ssub.s32 s0, s26;
	s2 =	sshrl.u32 s4, $0x3  }
0xd: {  	s26 =	simm.s32 $0x8;
	s0 =	smax.u32 s0, $0x1;
	s2 =	sadd.s32 s2, s6  }
0xe: {  	s7 =	sor.u32 $0xA0, s4;
	[dreg:$0x5] =	wrdreg s0;
	s2 =	sadd.s32 $0x400, s2  }
0xf: {  	s8 =	sor.u32 $0x140, s4;
	s9 =	sor.u32 $0x1E0, s4;
	[dreg:$0x4] =	wrdreg s2  }
.LBB2_14:
0x10: {  	_ =	swait.ge [sflag:s30], $0x5000  }
0x11: {  	s31 =	sadd.s32 $0x1, s31;
	s0 =	rddreg [dreg:$0x5]  }
0x12: {  	p0 =	sne.s32 s31, s0  }
.Ltmp1:
0x13: {  	_ = 	snop;
	(pc) =	sbr.rel @!p0 .LBB2_15-.Ltmp1, $3  }
0x14: {  	_ =	sdelay $0x1  }
0x15: {  	[sflag:s30] =	ssyncset.done $0x0  }
0x16: {  	[sflag:s30] =	ssyncadd.s32 $0xFFFFB000  }
.LBB2_1:
0x17: {  	s0 =	rddreg [dreg:$0x4];
	s11 =	simm.s32 $0xB  }
0x18: {  	[tilespmem:s5], [sflag:$0xB] =	stream.linear.gather [hbm4b:s0+s5], $0x6400, $0x38;
	[tilespmem:$0x1F400] =	vst v63  }
0x19: {  	_ =	swait.ge [sflag:s11], $0x6400  }
0x1a: {  	[sflag:s11] =	ssyncset.done $0x0  }
0x1b: {  	[sflag:s11] =	ssyncadd.s32 $0xFFFF9C00  }
0x1c: {  	[tilespmem:s13], [sflag:$0x1] =	stream.indirect.gather [hbm4b:s1+s12], $0x80, s5, s12, $0xb8;
	[tilespmem:$0x1F400] =	vst v63  }
0x1d: {  	_ = 	snop  }
0x1e: {  	[tilespmem:s14], [sflag:$0x2] =	stream.indirect.gather [hbm4b:s1+s12], $0x80, s12, s12, $0xb8;
	[tilespmem:$0x1F400] =	vst v63  }
0x1f: {  	s15 =	simm.s32 $0x140  }
0x20: {  	[tilespmem:s16], [sflag:$0x3] =	stream.indirect.gather [hbm4b:s1+s12], $0x80, s15, s12, $0xb8;
	[tilespmem:$0x1F400] =	vst v63  }
0x21: {  	s17 =	simm.s32 $0x1E0;
	s2 =	simm.s32 $0x0  }
0x22: {  	[tilespmem:s18], [sflag:$0x4] =	stream.indirect.gather [hbm4b:s1+s12], $0x80, s17, s12, $0xb8;
	[tilespmem:$0x1F400] =	vst v63  }
.LBB2_2:
0x23: {  	_ =	swait.ge [sflag:s19], $0x5000  }
0x24: {  	[sflag:s19] =	ssyncset.done $0x0  }
0x25: {  	s0 =	simm.s32 $0x6480;
	[sflag:s19] =	ssyncadd.s32 $0xFFFFB000  }
0x26: {  	v0 =	vld [tilespmem:s0+$0x70]  }
0x27: {  	v1 =	vld [tilespmem:s0+$0xFFFFFF90]  }
0x28: {  	v2 =	vld [tilespmem:s0+$0xFFFFFFA0]  }
0x29: {  	v3 =	vld [tilespmem:s0+$0xFFFFFFB0]  }
0x2a: {  	v4 =	vld [tilespmem:s0+$0xFFFFFFC0]  }
0x2b: {  	v5 =	vld [tilespmem:s0+$0xFFFFFFD0];
	v0 =	vmul.f32 $1.131370830e+01, v0  }
0x2c: {  	v6 =	vld [tilespmem:s0+$0xFFFFFFE0];
	v1 =	vmul.f32 $1.131370830e+01, v1  }
0x2d: {  	v7 =	vld [tilespmem:s0+$0xFFFFFFF0];
	v2 =	vmul.f32 $1.131370830e+01, v2;
	[tilespmem:s0+$0x70] =	vst v0  }
0x2e: {  	[tilespmem:s0+$0xFFFFFF90] =	vst v1;
	v0 =	vmul.f32 $1.131370830e+01, v3;
	v3 =	vld [tilespmem:s0+$0x0]  }
0x2f: {  	[tilespmem:s0+$0xFFFFFFA0] =	vst v2;
	v1 =	vmul.f32 $1.131370830e+01, v4;
	v4 =	vld [tilespmem:s0+$0x10]  }
0x30: {  	v8 =	vld [tilespmem:s0+$0x20];
	v2 =	vmul.f32 $1.131370830e+01, v5;
	[tilespmem:s0+$0xFFFFFFB0] =	vst v0  }
0x31: {  	v5 =	vmul.f32 $1.131370830e+01, v6;
	[tilespmem:s0+$0xFFFFFFC0] =	vst v1;
	v0 =	vld [tilespmem:s0+$0x30]  }
0x32: {  	[tilespmem:s0+$0xFFFFFFD0] =	vst v2;
	v2 =	vmul.f32 $1.131370830e+01, v7;
	v1 =	vld [tilespmem:s0+$0x40]  }
0x33: {  	[tilespmem:s0+$0xFFFFFFE0] =	vst v5;
	v6 =	vmul.f32 $1.131370830e+01, v3;
	v3 =	vld [tilespmem:s0+$0x50]  }
0x34: {  	[tilespmem:s0+$0xFFFFFFF0] =	vst v2;
	v2 =	vld [tilespmem:s0+$0x60];
	v5 =	vmul.f32 $1.131370830e+01, v4  }
0x35: {  	s6 =	simm.s32 $0x0;
	s10 =	simm.s32 $0x6580;
	v4 =	vld [tilespmem:s0+$0xFFFFFF80];
	[tilespmem:s0+$0x0] =	vst v6;
	v6 =	vmul.f32 $1.131370830e+01, v8  }
.LBB2_3:
0x36: {  	v7 =	vld [tilespmem:s10+$0x70];
	s6 =	sadd.s32 $0x2, s6;
	[tilespmem:s0+$0x10] =	vst v5;
	v0 =	vmul.f32 $1.131370830e+01, v0  }
0x37: {  	v5 =	vld [tilespmem:s10+$0xFFFFFF90];
	p0 =	slt.u32 s6, $0x9E;
	[tilespmem:s0+$0x20] =	vst v6;
	v1 =	vmul.f32 $1.131370830e+01, v1  }
0x38: {  	v6 =	vld [tilespmem:s10+$0xFFFFFFA0];
	[tilespmem:s0+$0x30] =	vst v0;
	v0 =	vmul.f32 $1.131370830e+01, v3  }
0x39: {  	v3 =	vld [tilespmem:s10+$0xFFFFFFB0];
	[tilespmem:s0+$0x40] =	vst v1;
	v1 =	vmul.f32 $1.131370830e+01, v2  }
0x3a: {  	v2 =	vld [tilespmem:s10+$0xFFFFFFC0];
	v4 =	vmul.f32 $1.131370830e+01, v4;
	[tilespmem:s0+$0x50] =	vst v0  }
0x3b: {  	v0 =	vld [tilespmem:s10+$0xFFFFFFD0];
	v7 =	vmul.f32 $1.131370830e+01, v7;
	[tilespmem:s0+$0x60] =	vst v1  }
0x3c: {  	v1 =	vmul.f32 $1.131370830e+01, v5;
	v5 =	vld [tilespmem:s10+$0xFFFFFFE0];
	[tilespmem:s0+$0xFFFFFF80] =	vst v4;
	s0 =	smov.u32 s10  }
0x3d: {  	v4 =	vmul.f32 $1.131370830e+01, v6;
	v6 =	vld [tilespmem:s10+$0xFFFFFFF0];
	[tilespmem:s10+$0x70] =	vst v7  }
0x3e: {  	[tilespmem:s10+$0xFFFFFF90] =	vst v1;
	v1 =	vmul.f32 $1.131370830e+01, v3;
	v3 =	vld [tilespmem:s10+$0x0]  }
0x3f: {  	[tilespmem:s10+$0xFFFFFFA0] =	vst v4;
	v2 =	vmul.f32 $1.131370830e+01, v2;
	v4 =	vld [tilespmem:s10+$0x10]  }
0x40: {  	[tilespmem:s10+$0xFFFFFFB0] =	vst v1;
	v1 =	vmul.f32 $1.131370830e+01, v0;
	v7 =	vld [tilespmem:s10+$0x20]  }
.Ltmp2:
0x41: {  	[tilespmem:s10+$0xFFFFFFC0] =	vst v2;
	v2 =	vmul.f32 $1.131370830e+01, v5;
	v0 =	vld [tilespmem:s10+$0x30];
	(pc) =	sbr.rel @p0 .LBB2_3-.Ltmp2, $4  }
0x42: {  	[tilespmem:s10+$0xFFFFFFD0] =	vst v1;
	v5 =	vmul.f32 $1.131370830e+01, v6;
	v1 =	vld [tilespmem:s10+$0x40]  }
0x43: {  	[tilespmem:s10+$0xFFFFFFE0] =	vst v2;
	v6 =	vmul.f32 $1.131370830e+01, v3;
	v3 =	vld [tilespmem:s10+$0x50]  }
0x44: {  	[tilespmem:s10+$0xFFFFFFF0] =	vst v5;
	v5 =	vmul.f32 $1.131370830e+01, v4;
	v2 =	vld [tilespmem:s10+$0x60]  }
0x45: {  	s10 =	sadd.s32 $0x100, s10;
	v4 =	vld [tilespmem:s0+$0xFFFFFF80];
	[tilespmem:s0+$0x0] =	vst v6;
	v6 =	vmul.f32 $1.131370830e+01, v7  }
0x46: {  	[tilespmem:s0+$0x10] =	vst v5;
	v0 =	vmul.f32 $1.131370830e+01, v0  }
0x47: {  	[tilespmem:s0+$0x20] =	vst v6;
	v1 =	vmul.f32 $1.131370830e+01, v1  }
0x48: {  	s15 =	smul.u32 $0x320, s2;
	[tilespmem:s0+$0x30] =	vst v0;
	v0 =	vmul.f32 $1.131370830e+01, v3  }
0x49: {  	[tilespmem:s0+$0x40] =	vst v1;
	v1 =	vmul.f32 $1.131370830e+01, v2  }
0x4a: {  	s6 =	sadd.s32 s4, s15;
	v2 =	vmul.f32 $1.131370830e+01, v4;
	[tilespmem:s0+$0x50] =	vst v0  }
0x4b: {  	s6 =	sshll.u32 s6, $0x4;
	[tilespmem:s0+$0x60] =	vst v1  }
0x4c: {  	s11 =	smul.u32 $0x5, s2;
	p0 =	seq.s32 s2, $0x0;
	s6 =	sadd.s32 s3, s6;
	[tilespmem:s0+$0xFFFFFF80] =	vst v2  }
0x4d: {  	[hbm4b:s6+s5] =	stream.linear.scatter [tilespmem:s13], [sflag:$0x6], $0x5000, $0x38;
	[tilespmem:$0x1F400] =	vst v63  }
0x4e: {  	s0 =	sadd.s32 $0x4, s11;
	s6 =	simm.s32 @!p0 $0xA  }
0x4f: {  	s10 =	smul.u32 $0x280, s0;
	_ =	swait.ge @!p0 [sflag:s6], $0x5000  }
0x50: {  	[sflag:s6] =	ssyncset.done @!p0 $0x0  }
0x51: {  	s17 =	sshra.s32 s10, $0x2;
	[sflag:s6] =	ssyncadd.s32 @!p0 $0xFFFFB000  }
0x52: {  	[tilespmem:s20], [sflag:$0x5] =	stream.indirect.gather [hbm4b:s1+s12], $0x80, s17, s12, $0xb8;
	[tilespmem:$0x1F400] =	vst v63  }
0x53: {  	_ =	swait.ge [sflag:s21], $0x5000  }
0x54: {  	[sflag:s21] =	ssyncset.done $0x0  }
0x55: {  	s17 =	simm.s32 $0xB480;
	[sflag:s21] =	ssyncadd.s32 $0xFFFFB000  }
0x56: {  	v0 =	vld [tilespmem:s17+$0x70]  }
0x57: {  	v1 =	vld [tilespmem:s17+$0xFFFFFF90]  }
0x58: {  	v2 =	vld [tilespmem:s17+$0xFFFFFFA0]  }
0x59: {  	v3 =	vld [tilespmem:s17+$0xFFFFFFB0]  }
0x5a: {  	v4 =	vld [tilespmem:s17+$0xFFFFFFC0]  }
0x5b: {  	v5 =	vld [tilespmem:s17+$0xFFFFFFD0];
	v0 =	vmul.f32 $1.131370830e+01, v0  }
0x5c: {  	v6 =	vld [tilespmem:s17+$0xFFFFFFE0];
	v1 =	vmul.f32 $1.131370830e+01, v1  }
0x5d: {  	v7 =	vld [tilespmem:s17+$0xFFFFFFF0];
	v2 =	vmul.f32 $1.131370830e+01, v2;
	[tilespmem:s17+$0x70] =	vst v0  }
0x5e: {  	[tilespmem:s17+$0xFFFFFF90] =	vst v1;
	v0 =	vmul.f32 $1.131370830e+01, v3;
	v3 =	vld [tilespmem:s17+$0x0]  }
0x5f: {  	[tilespmem:s17+$0xFFFFFFA0] =	vst v2;
	v1 =	vmul.f32 $1.131370830e+01, v4;
	v4 =	vld [tilespmem:s17+$0x10]  }
0x60: {  	v8 =	vld [tilespmem:s17+$0x20];
	v2 =	vmul.f32 $1.131370830e+01, v5;
	[tilespmem:s17+$0xFFFFFFB0] =	vst v0  }
0x61: {  	v5 =	vmul.f32 $1.131370830e+01, v6;
	[tilespmem:s17+$0xFFFFFFC0] =	vst v1;
	v0 =	vld [tilespmem:s17+$0x30]  }
0x62: {  	v6 =	vmul.f32 $1.131370830e+01, v7;
	[tilespmem:s17+$0xFFFFFFD0] =	vst v2;
	v1 =	vld [tilespmem:s17+$0x40]  }
0x63: {  	[tilespmem:s17+$0xFFFFFFE0] =	vst v5;
	v2 =	vld [tilespmem:s17+$0x50];
	v7 =	vmul.f32 $1.131370830e+01, v3  }
0x64: {  	[tilespmem:s17+$0xFFFFFFF0] =	vst v6;
	v3 =	vld [tilespmem:s17+$0x60];
	v5 =	vmul.f32 $1.131370830e+01, v4  }
0x65: {  	s10 =	simm.s32 $0xB580;
	s6 =	simm.s32 $0x0;
	v6 =	vmul.f32 $1.131370830e+01, v8;
	v4 =	vld [tilespmem:s17+$0xFFFFFF80];
	[tilespmem:s17+$0x0] =	vst v7  }
.LBB2_5:
0x66: {  	v7 =	vld [tilespmem:s10+$0x70];
	s6 =	sadd.s32 $0x2, s6;
	[tilespmem:s17+$0x10] =	vst v5;
	v0 =	vmul.f32 $1.131370830e+01, v0  }
0x67: {  	v5 =	vld [tilespmem:s10+$0xFFFFFF90];
	p0 =	slt.u32 s6, $0x9E;
	[tilespmem:s17+$0x20] =	vst v6;
	v1 =	vmul.f32 $1.131370830e+01, v1  }
0x68: {  	v6 =	vld [tilespmem:s10+$0xFFFFFFA0];
	[tilespmem:s17+$0x30] =	vst v0;
	v0 =	vmul.f32 $1.131370830e+01, v2  }
0x69: {  	v2 =	vld [tilespmem:s10+$0xFFFFFFB0];
	[tilespmem:s17+$0x40] =	vst v1;
	v1 =	vmul.f32 $1.131370830e+01, v3  }
0x6a: {  	v3 =	vld [tilespmem:s10+$0xFFFFFFC0];
	v4 =	vmul.f32 $1.131370830e+01, v4;
	[tilespmem:s17+$0x50] =	vst v0  }
0x6b: {  	v0 =	vld [tilespmem:s10+$0xFFFFFFD0];
	v7 =	vmul.f32 $1.131370830e+01, v7;
	[tilespmem:s17+$0x60] =	vst v1  }
0x6c: {  	v1 =	vmul.f32 $1.131370830e+01, v5;
	v5 =	vld [tilespmem:s10+$0xFFFFFFE0];
	[tilespmem:s17+$0xFFFFFF80] =	vst v4;
	s17 =	smov.u32 s10  }
0x6d: {  	v4 =	vmul.f32 $1.131370830e+01, v6;
	v6 =	vld [tilespmem:s10+$0xFFFFFFF0];
	[tilespmem:s10+$0x70] =	vst v7  }
0x6e: {  	[tilespmem:s10+$0xFFFFFF90] =	vst v1;
	v1 =	vmul.f32 $1.131370830e+01, v2;
	v2 =	vld [tilespmem:s10+$0x0]  }
0x6f: {  	[tilespmem:s10+$0xFFFFFFA0] =	vst v4;
	v3 =	vmul.f32 $1.131370830e+01, v3;
	v4 =	vld [tilespmem:s10+$0x10]  }
0x70: {  	[tilespmem:s10+$0xFFFFFFB0] =	vst v1;
	v1 =	vmul.f32 $1.131370830e+01, v0;
	v7 =	vld [tilespmem:s10+$0x20]  }
.Ltmp3:
0x71: {  	[tilespmem:s10+$0xFFFFFFC0] =	vst v3;
	v3 =	vmul.f32 $1.131370830e+01, v5;
	v0 =	vld [tilespmem:s10+$0x30];
	(pc) =	sbr.rel @p0 .LBB2_5-.Ltmp3, $4  }
0x72: {  	[tilespmem:s10+$0xFFFFFFD0] =	vst v1;
	v5 =	vmul.f32 $1.131370830e+01, v6;
	v1 =	vld [tilespmem:s10+$0x40]  }
0x73: {  	[tilespmem:s10+$0xFFFFFFE0] =	vst v3;
	v6 =	vmul.f32 $1.131370830e+01, v2;
	v2 =	vld [tilespmem:s10+$0x50]  }
0x74: {  	[tilespmem:s10+$0xFFFFFFF0] =	vst v5;
	v5 =	vmul.f32 $1.131370830e+01, v4;
	v3 =	vld [tilespmem:s10+$0x60]  }
0x75: {  	s10 =	sadd.s32 $0x100, s10;
	v4 =	vld [tilespmem:s17+$0xFFFFFF80];
	[tilespmem:s17+$0x0] =	vst v6;
	v6 =	vmul.f32 $1.131370830e+01, v7  }
0x76: {  	[tilespmem:s17+$0x10] =	vst v5;
	v0 =	vmul.f32 $1.131370830e+01, v0  }
0x77: {  	[tilespmem:s17+$0x20] =	vst v6;
	v1 =	vmul.f32 $1.131370830e+01, v1  }
0x78: {  	[tilespmem:s17+$0x30] =	vst v0;
	v0 =	vmul.f32 $1.131370830e+01, v2  }
0x79: {  	[tilespmem:s17+$0x40] =	vst v1;
	v1 =	vmul.f32 $1.131370830e+01, v3  }
0x7a: {  	s6 =	sadd.s32 s15, s7;
	v2 =	vmul.f32 $1.131370830e+01, v4;
	[tilespmem:s17+$0x50] =	vst v0  }
0x7b: {  	s6 =	sshll.u32 s6, $0x4;
	[tilespmem:s17+$0x60] =	vst v1  }
0x7c: {  	p0 =	seq.s32 s2, $0x1F;
	s6 =	sadd.s32 s3, s6;
	[tilespmem:s17+$0xFFFFFF80] =	vst v2  }
0x7d: {  	[hbm4b:s6+s5] =	stream.linear.scatter [tilespmem:s14], [sflag:$0x7], $0x5000, $0x38;
	[tilespmem:$0x1F400] =	vst v63  }
0x7e: {  	s6 =	smul.u32 @!p0 $0xC80, s2  }
0x7f: {  	_ =	swait.ge [sflag:s22], $0x5000  }
0x80: {  	s10 =	simm.s32 @!p0 $0xA0;
	[sflag:s22] =	ssyncset.done $0x0;
	s17 =	sshra.s32 @!p0 s6, $0x2  }
0x81: {  	s11 =	simm.s32 @!p0 $0x6400;
	[sflag:s22] =	ssyncadd.s32 $0xFFFFB000;
	s6 =	sadd.s32 @!p0 $0x320, s17  }
0x82: {  	[tilespmem:s11], [sflag:$0x1] =	stream.indirect.gather @!p0 [hbm4b:s1+s10], $0x80, s6, s10, $0xb8;
	[tilespmem:$0x1F400] =	vst v63  }
0x83: {  	_ =	swait.ge [sflag:s23], $0x5000  }
0x84: {  	[sflag:s23] =	ssyncset.done $0x0  }
0x85: {  	s6 =	simm.s32 $0x10480;
	[sflag:s23] =	ssyncadd.s32 $0xFFFFB000  }
0x86: {  	v0 =	vld [tilespmem:s6+$0x70]  }
0x87: {  	v1 =	vld [tilespmem:s6+$0xFFFFFF90]  }
0x88: {  	v2 =	vld [tilespmem:s6+$0xFFFFFFA0]  }
0x89: {  	v3 =	vld [tilespmem:s6+$0xFFFFFFB0]  }
0x8a: {  	v4 =	vld [tilespmem:s6+$0xFFFFFFC0]  }
0x8b: {  	v5 =	vld [tilespmem:s6+$0xFFFFFFD0];
	v0 =	vmul.f32 $1.131370830e+01, v0  }
0x8c: {  	v6 =	vld [tilespmem:s6+$0xFFFFFFE0];
	v1 =	vmul.f32 $1.131370830e+01, v1  }
0x8d: {  	v7 =	vld [tilespmem:s6+$0xFFFFFFF0];
	v2 =	vmul.f32 $1.131370830e+01, v2;
	[tilespmem:s6+$0x70] =	vst v0  }
0x8e: {  	[tilespmem:s6+$0xFFFFFF90] =	vst v1;
	v0 =	vmul.f32 $1.131370830e+01, v3;
	v3 =	vld [tilespmem:s6+$0x0]  }
0x8f: {  	[tilespmem:s6+$0xFFFFFFA0] =	vst v2;
	v1 =	vmul.f32 $1.131370830e+01, v4;
	v4 =	vld [tilespmem:s6+$0x10]  }
0x90: {  	v8 =	vld [tilespmem:s6+$0x20];
	v2 =	vmul.f32 $1.131370830e+01, v5;
	[tilespmem:s6+$0xFFFFFFB0] =	vst v0  }
0x91: {  	v5 =	vmul.f32 $1.131370830e+01, v6;
	[tilespmem:s6+$0xFFFFFFC0] =	vst v1;
	v0 =	vld [tilespmem:s6+$0x30]  }
0x92: {  	v6 =	vmul.f32 $1.131370830e+01, v7;
	[tilespmem:s6+$0xFFFFFFD0] =	vst v2;
	v1 =	vld [tilespmem:s6+$0x40]  }
0x93: {  	[tilespmem:s6+$0xFFFFFFE0] =	vst v5;
	v2 =	vld [tilespmem:s6+$0x50];
	v7 =	vmul.f32 $1.131370830e+01, v3  }
0x94: {  	[tilespmem:s6+$0xFFFFFFF0] =	vst v6;
	v3 =	vld [tilespmem:s6+$0x60];
	v5 =	vmul.f32 $1.131370830e+01, v4  }
0x95: {  	s10 =	simm.s32 $0x0;
	s11 =	simm.s32 $0x10580;
	v6 =	vmul.f32 $1.131370830e+01, v8;
	v4 =	vld [tilespmem:s6+$0xFFFFFF80];
	[tilespmem:s6+$0x0] =	vst v7  }
.LBB2_7:
0x96: {  	v7 =	vld [tilespmem:s11+$0x70];
	s10 =	sadd.s32 $0x2, s10;
	[tilespmem:s6+$0x10] =	vst v5;
	v0 =	vmul.f32 $1.131370830e+01, v0  }
0x97: {  	v5 =	vld [tilespmem:s11+$0xFFFFFF90];
	p1 =	slt.u32 s10, $0x9E;
	[tilespmem:s6+$0x20] =	vst v6;
	v1 =	vmul.f32 $1.131370830e+01, v1  }
0x98: {  	v6 =	vld [tilespmem:s11+$0xFFFFFFA0];
	[tilespmem:s6+$0x30] =	vst v0;
	v0 =	vmul.f32 $1.131370830e+01, v2  }
0x99: {  	v2 =	vld [tilespmem:s11+$0xFFFFFFB0];
	[tilespmem:s6+$0x40] =	vst v1;
	v1 =	vmul.f32 $1.131370830e+01, v3  }
0x9a: {  	v3 =	vld [tilespmem:s11+$0xFFFFFFC0];
	v4 =	vmul.f32 $1.131370830e+01, v4;
	[tilespmem:s6+$0x50] =	vst v0  }
0x9b: {  	v0 =	vld [tilespmem:s11+$0xFFFFFFD0];
	v7 =	vmul.f32 $1.131370830e+01, v7;
	[tilespmem:s6+$0x60] =	vst v1  }
0x9c: {  	v1 =	vmul.f32 $1.131370830e+01, v5;
	v5 =	vld [tilespmem:s11+$0xFFFFFFE0];
	[tilespmem:s6+$0xFFFFFF80] =	vst v4;
	s6 =	smov.u32 s11  }
0x9d: {  	v4 =	vmul.f32 $1.131370830e+01, v6;
	v6 =	vld [tilespmem:s11+$0xFFFFFFF0];
	[tilespmem:s11+$0x70] =	vst v7  }
0x9e: {  	[tilespmem:s11+$0xFFFFFF90] =	vst v1;
	v1 =	vmul.f32 $1.131370830e+01, v2;
	v2 =	vld [tilespmem:s11+$0x0]  }
0x9f: {  	[tilespmem:s11+$0xFFFFFFA0] =	vst v4;
	v3 =	vmul.f32 $1.131370830e+01, v3;
	v4 =	vld [tilespmem:s11+$0x10]  }
0xa0: {  	[tilespmem:s11+$0xFFFFFFB0] =	vst v1;
	v1 =	vmul.f32 $1.131370830e+01, v0;
	v7 =	vld [tilespmem:s11+$0x20]  }
.Ltmp4:
0xa1: {  	[tilespmem:s11+$0xFFFFFFC0] =	vst v3;
	v3 =	vmul.f32 $1.131370830e+01, v5;
	v0 =	vld [tilespmem:s11+$0x30];
	(pc) =	sbr.rel @p1 .LBB2_7-.Ltmp4, $4  }
0xa2: {  	[tilespmem:s11+$0xFFFFFFD0] =	vst v1;
	v5 =	vmul.f32 $1.131370830e+01, v6;
	v1 =	vld [tilespmem:s11+$0x40]  }
0xa3: {  	[tilespmem:s11+$0xFFFFFFE0] =	vst v3;
	v6 =	vmul.f32 $1.131370830e+01, v2;
	v2 =	vld [tilespmem:s11+$0x50]  }
0xa4: {  	[tilespmem:s11+$0xFFFFFFF0] =	vst v5;
	v5 =	vmul.f32 $1.131370830e+01, v4;
	v3 =	vld [tilespmem:s11+$0x60]  }
0xa5: {  	s11 =	sadd.s32 $0x100, s11;
	v4 =	vld [tilespmem:s6+$0xFFFFFF80];
	[tilespmem:s6+$0x0] =	vst v6;
	v6 =	vmul.f32 $1.131370830e+01, v7  }
0xa6: {  	[tilespmem:s6+$0x10] =	vst v5;
	v0 =	vmul.f32 $1.131370830e+01, v0  }
0xa7: {  	[tilespmem:s6+$0x20] =	vst v6;
	v1 =	vmul.f32 $1.131370830e+01, v1  }
0xa8: {  	[tilespmem:s6+$0x30] =	vst v0;
	v0 =	vmul.f32 $1.131370830e+01, v2  }
0xa9: {  	[tilespmem:s6+$0x40] =	vst v1;
	v1 =	vmul.f32 $1.131370830e+01, v3  }
0xaa: {  	s10 =	sadd.s32 s15, s8;
	v2 =	vmul.f32 $1.131370830e+01, v4;
	[tilespmem:s6+$0x50] =	vst v0  }
0xab: {  	s10 =	sshll.u32 s10, $0x4;
	[tilespmem:s6+$0x60] =	vst v1  }
0xac: {  	s11 =	sadd.s32 s3, s10;
	[tilespmem:s6+$0xFFFFFF80] =	vst v2  }
0xad: {  	[hbm4b:s11+s5] =	stream.linear.scatter [tilespmem:s16], [sflag:$0x8], $0x5000, $0x38;
	[tilespmem:$0x1F400] =	vst v63  }
0xae: {  	_ =	swait.ge [sflag:s24], $0x5000  }
0xaf: {  	s10 =	simm.s32 @!p0 $0xA0;
	[sflag:s24] =	ssyncset.done $0x0  }
0xb0: {  	s6 =	sadd.s32 @!p0 $0x3C0, s17;
	s11 =	simm.s32 @!p0 $0xB400;
	[sflag:s24] =	ssyncadd.s32 $0xFFFFB000  }
0xb1: {  	[tilespmem:s11], [sflag:$0x2] =	stream.indirect.gather @!p0 [hbm4b:s1+s10], $0x80, s6, s10, $0xb8;
	[tilespmem:$0x1F400] =	vst v63  }
0xb2: {  	_ =	swait.ge [sflag:s25], $0x5000  }
0xb3: {  	[sflag:s25] =	ssyncset.done $0x0  }
0xb4: {  	s6 =	simm.s32 $0x15480;
	[sflag:s25] =	ssyncadd.s32 $0xFFFFB000  }
0xb5: {  	v0 =	vld [tilespmem:s6+$0x70]  }
0xb6: {  	v1 =	vld [tilespmem:s6+$0xFFFFFF90]  }
0xb7: {  	v2 =	vld [tilespmem:s6+$0xFFFFFFA0]  }
0xb8: {  	v3 =	vld [tilespmem:s6+$0xFFFFFFB0]  }
0xb9: {  	v4 =	vld [tilespmem:s6+$0xFFFFFFC0]  }
0xba: {  	v5 =	vld [tilespmem:s6+$0xFFFFFFD0];
	v0 =	vmul.f32 $1.131370830e+01, v0  }
0xbb: {  	v6 =	vld [tilespmem:s6+$0xFFFFFFE0];
	v1 =	vmul.f32 $1.131370830e+01, v1  }
0xbc: {  	v7 =	vld [tilespmem:s6+$0xFFFFFFF0];
	v2 =	vmul.f32 $1.131370830e+01, v2;
	[tilespmem:s6+$0x70] =	vst v0  }
0xbd: {  	[tilespmem:s6+$0xFFFFFF90] =	vst v1;
	v0 =	vmul.f32 $1.131370830e+01, v3;
	v3 =	vld [tilespmem:s6+$0x0]  }
0xbe: {  	[tilespmem:s6+$0xFFFFFFA0] =	vst v2;
	v1 =	vmul.f32 $1.131370830e+01, v4;
	v4 =	vld [tilespmem:s6+$0x10]  }
0xbf: {  	v8 =	vld [tilespmem:s6+$0x20];
	v2 =	vmul.f32 $1.131370830e+01, v5;
	[tilespmem:s6+$0xFFFFFFB0] =	vst v0  }
0xc0: {  	v5 =	vmul.f32 $1.131370830e+01, v6;
	[tilespmem:s6+$0xFFFFFFC0] =	vst v1;
	v0 =	vld [tilespmem:s6+$0x30]  }
0xc1: {  	v6 =	vmul.f32 $1.131370830e+01, v7;
	[tilespmem:s6+$0xFFFFFFD0] =	vst v2;
	v1 =	vld [tilespmem:s6+$0x40]  }
0xc2: {  	[tilespmem:s6+$0xFFFFFFE0] =	vst v5;
	v2 =	vld [tilespmem:s6+$0x50];
	v7 =	vmul.f32 $1.131370830e+01, v3  }
0xc3: {  	[tilespmem:s6+$0xFFFFFFF0] =	vst v6;
	v3 =	vld [tilespmem:s6+$0x60];
	v5 =	vmul.f32 $1.131370830e+01, v4  }
0xc4: {  	s10 =	simm.s32 $0x0;
	s11 =	simm.s32 $0x15580;
	v6 =	vmul.f32 $1.131370830e+01, v8;
	v4 =	vld [tilespmem:s6+$0xFFFFFF80];
	[tilespmem:s6+$0x0] =	vst v7  }
.LBB2_9:
0xc5: {  	v7 =	vld [tilespmem:s11+$0x70];
	s10 =	sadd.s32 $0x2, s10;
	[tilespmem:s6+$0x10] =	vst v5;
	v0 =	vmul.f32 $1.131370830e+01, v0  }
0xc6: {  	v5 =	vld [tilespmem:s11+$0xFFFFFF90];
	p1 =	slt.u32 s10, $0x9E;
	[tilespmem:s6+$0x20] =	vst v6;
	v1 =	vmul.f32 $1.131370830e+01, v1  }
0xc7: {  	v6 =	vld [tilespmem:s11+$0xFFFFFFA0];
	[tilespmem:s6+$0x30] =	vst v0;
	v0 =	vmul.f32 $1.131370830e+01, v2  }
0xc8: {  	v2 =	vld [tilespmem:s11+$0xFFFFFFB0];
	[tilespmem:s6+$0x40] =	vst v1;
	v1 =	vmul.f32 $1.131370830e+01, v3  }
0xc9: {  	v3 =	vld [tilespmem:s11+$0xFFFFFFC0];
	v4 =	vmul.f32 $1.131370830e+01, v4;
	[tilespmem:s6+$0x50] =	vst v0  }
0xca: {  	v0 =	vld [tilespmem:s11+$0xFFFFFFD0];
	v7 =	vmul.f32 $1.131370830e+01, v7;
	[tilespmem:s6+$0x60] =	vst v1  }
0xcb: {  	v1 =	vmul.f32 $1.131370830e+01, v5;
	v5 =	vld [tilespmem:s11+$0xFFFFFFE0];
	[tilespmem:s6+$0xFFFFFF80] =	vst v4;
	s6 =	smov.u32 s11  }
0xcc: {  	v4 =	vmul.f32 $1.131370830e+01, v6;
	v6 =	vld [tilespmem:s11+$0xFFFFFFF0];
	[tilespmem:s11+$0x70] =	vst v7  }
0xcd: {  	[tilespmem:s11+$0xFFFFFF90] =	vst v1;
	v1 =	vmul.f32 $1.131370830e+01, v2;
	v2 =	vld [tilespmem:s11+$0x0]  }
0xce: {  	[tilespmem:s11+$0xFFFFFFA0] =	vst v4;
	v3 =	vmul.f32 $1.131370830e+01, v3;
	v4 =	vld [tilespmem:s11+$0x10]  }
0xcf: {  	[tilespmem:s11+$0xFFFFFFB0] =	vst v1;
	v1 =	vmul.f32 $1.131370830e+01, v0;
	v7 =	vld [tilespmem:s11+$0x20]  }
.Ltmp5:
0xd0: {  	[tilespmem:s11+$0xFFFFFFC0] =	vst v3;
	v3 =	vmul.f32 $1.131370830e+01, v5;
	v0 =	vld [tilespmem:s11+$0x30];
	(pc) =	sbr.rel @p1 .LBB2_9-.Ltmp5, $4  }
0xd1: {  	[tilespmem:s11+$0xFFFFFFD0] =	vst v1;
	v5 =	vmul.f32 $1.131370830e+01, v6;
	v1 =	vld [tilespmem:s11+$0x40]  }
0xd2: {  	[tilespmem:s11+$0xFFFFFFE0] =	vst v3;
	v6 =	vmul.f32 $1.131370830e+01, v2;
	v2 =	vld [tilespmem:s11+$0x50]  }
0xd3: {  	[tilespmem:s11+$0xFFFFFFF0] =	vst v5;
	v5 =	vmul.f32 $1.131370830e+01, v4;
	v3 =	vld [tilespmem:s11+$0x60]  }
0xd4: {  	s11 =	sadd.s32 $0x100, s11;
	v4 =	vld [tilespmem:s6+$0xFFFFFF80];
	[tilespmem:s6+$0x0] =	vst v6;
	v6 =	vmul.f32 $1.131370830e+01, v7  }
0xd5: {  	[tilespmem:s6+$0x10] =	vst v5;
	v0 =	vmul.f32 $1.131370830e+01, v0  }
0xd6: {  	[tilespmem:s6+$0x20] =	vst v6;
	v1 =	vmul.f32 $1.131370830e+01, v1  }
0xd7: {  	[tilespmem:s6+$0x30] =	vst v0;
	v0 =	vmul.f32 $1.131370830e+01, v2  }
0xd8: {  	[tilespmem:s6+$0x40] =	vst v1;
	v1 =	vmul.f32 $1.131370830e+01, v3  }
0xd9: {  	s10 =	sadd.s32 s15, s9;
	v2 =	vmul.f32 $1.131370830e+01, v4;
	[tilespmem:s6+$0x50] =	vst v0  }
0xda: {  	s10 =	sshll.u32 s10, $0x4;
	[tilespmem:s6+$0x60] =	vst v1  }
0xdb: {  	s15 =	sadd.s32 s3, s10;
	[tilespmem:s6+$0xFFFFFF80] =	vst v2  }
0xdc: {  	[hbm4b:s15+s5] =	stream.linear.scatter [tilespmem:s18], [sflag:$0x9], $0x5000, $0x38;
	[tilespmem:$0x1F400] =	vst v63  }
0xdd: {  	_ =	swait.ge [sflag:s26], $0x5000  }
0xde: {  	s11 =	simm.s32 @!p0 $0x10400;
	[sflag:s26] =	ssyncset.done $0x0  }
0xdf: {  	s10 =	simm.s32 @!p0 $0xA0;
	s6 =	sadd.s32 @!p0 $0x460, s17;
	[sflag:s26] =	ssyncadd.s32 $0xFFFFB000  }
0xe0: {  	[tilespmem:s11], [sflag:$0x3] =	stream.indirect.gather @!p0 [hbm4b:s1+s10], $0x80, s6, s10, $0xb8;
	[tilespmem:$0x1F400] =	vst v63  }
0xe1: {  	_ =	swait.ge [sflag:s28], $0x5000  }
0xe2: {  	[sflag:s28] =	ssyncset.done $0x0  }
0xe3: {  	s15 =	simm.s32 $0x1A480;
	[sflag:s28] =	ssyncadd.s32 $0xFFFFB000  }
0xe4: {  	v0 =	vld [tilespmem:s15+$0x70]  }
0xe5: {  	v1 =	vld [tilespmem:s15+$0xFFFFFF90]  }
0xe6: {  	v2 =	vld [tilespmem:s15+$0xFFFFFFA0]  }
0xe7: {  	v3 =	vld [tilespmem:s15+$0xFFFFFFB0]  }
0xe8: {  	v4 =	vld [tilespmem:s15+$0xFFFFFFC0]  }
0xe9: {  	v5 =	vld [tilespmem:s15+$0xFFFFFFD0];
	v0 =	vmul.f32 $1.131370830e+01, v0  }
0xea: {  	v6 =	vld [tilespmem:s15+$0xFFFFFFE0];
	v1 =	vmul.f32 $1.131370830e+01, v1  }
0xeb: {  	v7 =	vld [tilespmem:s15+$0xFFFFFFF0];
	v2 =	vmul.f32 $1.131370830e+01, v2;
	[tilespmem:s15+$0x70] =	vst v0  }
0xec: {  	[tilespmem:s15+$0xFFFFFF90] =	vst v1;
	v0 =	vmul.f32 $1.131370830e+01, v3;
	v3 =	vld [tilespmem:s15+$0x0]  }
0xed: {  	[tilespmem:s15+$0xFFFFFFA0] =	vst v2;
	v1 =	vmul.f32 $1.131370830e+01, v4;
	v4 =	vld [tilespmem:s15+$0x10]  }
0xee: {  	v8 =	vld [tilespmem:s15+$0x20];
	v2 =	vmul.f32 $1.131370830e+01, v5;
	[tilespmem:s15+$0xFFFFFFB0] =	vst v0  }
0xef: {  	v5 =	vmul.f32 $1.131370830e+01, v6;
	[tilespmem:s15+$0xFFFFFFC0] =	vst v1;
	v0 =	vld [tilespmem:s15+$0x30]  }
0xf0: {  	[tilespmem:s15+$0xFFFFFFD0] =	vst v2;
	v2 =	vmul.f32 $1.131370830e+01, v7;
	v1 =	vld [tilespmem:s15+$0x40]  }
0xf1: {  	[tilespmem:s15+$0xFFFFFFE0] =	vst v5;
	v6 =	vmul.f32 $1.131370830e+01, v3;
	v3 =	vld [tilespmem:s15+$0x50]  }
0xf2: {  	[tilespmem:s15+$0xFFFFFFF0] =	vst v2;
	v2 =	vld [tilespmem:s15+$0x60];
	v5 =	vmul.f32 $1.131370830e+01, v4  }
0xf3: {  	s6 =	simm.s32 $0x0;
	s10 =	simm.s32 $0x1A580;
	v4 =	vld [tilespmem:s15+$0xFFFFFF80];
	[tilespmem:s15+$0x0] =	vst v6;
	v6 =	vmul.f32 $1.131370830e+01, v8  }
.LBB2_11:
0xf4: {  	v7 =	vld [tilespmem:s10+$0x70];
	s6 =	sadd.s32 $0x2, s6;
	[tilespmem:s15+$0x10] =	vst v5;
	v0 =	vmul.f32 $1.131370830e+01, v0  }
0xf5: {  	v5 =	vld [tilespmem:s10+$0xFFFFFF90];
	p1 =	slt.u32 s6, $0x9E;
	[tilespmem:s15+$0x20] =	vst v6;
	v1 =	vmul.f32 $1.131370830e+01, v1  }
0xf6: {  	v6 =	vld [tilespmem:s10+$0xFFFFFFA0];
	[tilespmem:s15+$0x30] =	vst v0;
	v0 =	vmul.f32 $1.131370830e+01, v3  }
0xf7: {  	v3 =	vld [tilespmem:s10+$0xFFFFFFB0];
	[tilespmem:s15+$0x40] =	vst v1;
	v1 =	vmul.f32 $1.131370830e+01, v2  }
0xf8: {  	v2 =	vld [tilespmem:s10+$0xFFFFFFC0];
	v4 =	vmul.f32 $1.131370830e+01, v4;
	[tilespmem:s15+$0x50] =	vst v0  }
0xf9: {  	v0 =	vld [tilespmem:s10+$0xFFFFFFD0];
	v7 =	vmul.f32 $1.131370830e+01, v7;
	[tilespmem:s15+$0x60] =	vst v1  }
0xfa: {  	v1 =	vmul.f32 $1.131370830e+01, v5;
	v5 =	vld [tilespmem:s10+$0xFFFFFFE0];
	[tilespmem:s15+$0xFFFFFF80] =	vst v4;
	s15 =	smov.u32 s10  }
0xfb: {  	v4 =	vmul.f32 $1.131370830e+01, v6;
	v6 =	vld [tilespmem:s10+$0xFFFFFFF0];
	[tilespmem:s10+$0x70] =	vst v7  }
0xfc: {  	[tilespmem:s10+$0xFFFFFF90] =	vst v1;
	v1 =	vmul.f32 $1.131370830e+01, v3;
	v3 =	vld [tilespmem:s10+$0x0]  }
0xfd: {  	[tilespmem:s10+$0xFFFFFFA0] =	vst v4;
	v2 =	vmul.f32 $1.131370830e+01, v2;
	v4 =	vld [tilespmem:s10+$0x10]  }
0xfe: {  	[tilespmem:s10+$0xFFFFFFB0] =	vst v1;
	v1 =	vmul.f32 $1.131370830e+01, v0;
	v7 =	vld [tilespmem:s10+$0x20]  }
.Ltmp6:
0xff: {  	[tilespmem:s10+$0xFFFFFFC0] =	vst v2;
	v2 =	vmul.f32 $1.131370830e+01, v5;
	v0 =	vld [tilespmem:s10+$0x30];
	(pc) =	sbr.rel @p1 .LBB2_11-.Ltmp6, $4  }
0x100: {  	[tilespmem:s10+$0xFFFFFFD0] =	vst v1;
	v5 =	vmul.f32 $1.131370830e+01, v6;
	v1 =	vld [tilespmem:s10+$0x40]  }
0x101: {  	[tilespmem:s10+$0xFFFFFFE0] =	vst v2;
	v6 =	vmul.f32 $1.131370830e+01, v3;
	v3 =	vld [tilespmem:s10+$0x50]  }
0x102: {  	[tilespmem:s10+$0xFFFFFFF0] =	vst v5;
	v5 =	vmul.f32 $1.131370830e+01, v4;
	v2 =	vld [tilespmem:s10+$0x60]  }
0x103: {  	s10 =	sadd.s32 $0x100, s10;
	v4 =	vld [tilespmem:s15+$0xFFFFFF80];
	[tilespmem:s15+$0x0] =	vst v6;
	v6 =	vmul.f32 $1.131370830e+01, v7  }
0x104: {  	[tilespmem:s15+$0x10] =	vst v5;
	v0 =	vmul.f32 $1.131370830e+01, v0  }
0x105: {  	[tilespmem:s15+$0x20] =	vst v6;
	v1 =	vmul.f32 $1.131370830e+01, v1  }
0x106: {  	s0 =	smul.u32 $0xA0, s0;
	[tilespmem:s15+$0x30] =	vst v0;
	v61 =	vmul.f32 $1.131370830e+01, v3  }
0x107: {  	[tilespmem:s15+$0x40] =	vst v1;
	v62 =	vmul.f32 $1.131370830e+01, v2  }
0x108: {  	s0 =	sadd.s32 s4, s0;
	v63 =	vmul.f32 $1.131370830e+01, v4;
	[tilespmem:s15+$0x50] =	vst v61  }
0x109: {  	s0 =	sshll.u32 s0, $0x4;
	[tilespmem:s15+$0x60] =	vst v62  }
.Ltmp7:
0x10a: {  	s0 =	sadd.s32 s3, s0;
	[tilespmem:s15+$0xFFFFFF80] =	vst v63;
	(pc) =	sbr.rel @p0 .LBB2_14-.Ltmp7, $4  }
0x10b: {  	[hbm4b:s0+s5] =	stream.linear.scatter [tilespmem:s20], [sflag:$0xA], $0x5000, $0x38;
	[tilespmem:$0x1F400] =	vst v63  }
0x10c: {  	_ =	swait.ge [sflag:s29], $0x5000  }
0x10d: {  	[sflag:s29] =	ssyncset.done $0x0  }
0x10e: {  	[sflag:s29] =	ssyncadd.s32 $0xFFFFB000  }
0x10f: {  	s0 =	smul.u32 $0xC80, s2  }
.Ltmp8:
0x110: {  	_ = 	snop;
	(pc) =	sbr.rel .LBB2_2-.Ltmp8, $4  }
0x111: {  	_ = 	snop  }
0x112: {  	s0 =	sshra.s32 s0, $0x2  }
0x113: {  	s2 =	sadd.s32 $0x1, s2;
	s0 =	sadd.s32 $0x500, s0  }
0x114: {  	[tilespmem:s18], [sflag:$0x4] =	stream.indirect.gather [hbm4b:s1+s12], $0x80, s0, s12, $0xb8;
	[tilespmem:$0x1F400] =	vst v63  }
.LBB2_15:
0x115: {  	_ =	sfence.sel $0x180000  }
0x116: {  	[bflag:$0x0] =	sbarrier.arrive $0xFFFF  }
0x117: {  	_ =	strace $0x90000047  }
0x118: {  	s0 =	stileid.u32;
	[bflag:$0x2] =	sbarrier.arrive $0xFFFF  }
0x119: {  	p0 =	sne.s32 s0, $0x0;
	s0 =	rddreg [dreg:$0x3]  }
0x11a: {  	s0 =	sadd.s32 @!p0 $0x100000, s0  }
0x11b: {  	[sflag:s0] =	ssyncadd.tile.s32 @!p0 $0x1;
	_ =	shalt  }
.Lfunc_end2:
_tile_overlayer_lowered:
.L_overlay_start_2:
0x11c: {  	(tag) =	ssettag $0x2  }
0x11d: {  	s0 =	rddreg [dreg:$0x0];
	s2 =	stileid.u32  }
0x11e: {  	s1 =	rddreg [dreg:$0x1];
	p0 =	sne.s32 s2, $0x0  }
0x11f: {  	s3 =	rddreg [dreg:$0x2];
	[bflag:$0x3] =	sbarrier.arrive $0xFFFF;
	s2 =	simm.s32 @!p0 $0x1C0B  }
0x120: {  	[timem:s3], [sflag:s2] =	dma.local @!p0 [hbm:s0], s1  }
0x121: {  	s0 =	simm.s32 @!p0 $0xB  }
0x122: {  	_ =	swait.ge @!p0 [sflag:s0], s1  }
0x123: {  	s1 =	ssub.s32 @!p0 $0x0, s1;
	[sflag:s0] =	ssyncset.done @!p0 $0x0  }
0x124: {  	[sflag:s0] =	ssyncadd.s32 @!p0 s1  }
0x125: {  	[bflag:$0x3] =	sbarrier.arrive $0xFFFF  }
0x126: {  	_ =	shalt  }

</sc_bundles>
